<compile_context>
chip_gen: v7x
topology: tpu7x:2x2x1
jax: 0.10.2.dev20260603
libtpu: 0.0.44.dev20260713+nightly
codegen_flags: <defaults>
</compile_context>

<pallas_src>
import functools

import jax
import jax.numpy as jnp
from jax import lax
from jax.experimental import pallas as pl
from jax.experimental.pallas import tpu as pltpu
from jax.experimental.pallas import tpu_sc as plsc

_K = 128
_D = 32
_L = 8
_B = 4096
_NB = 4096
_G = 8
_NW = 32
_BPW = _B // _NW


def _tc_body(x_ref, cb_ref, cbt_ref, pol_ref, qnt_ref):
    x = x_ref[0]
    cb = cb_ref[...]
    cbt = cbt_ref[...]
    prod = jax.lax.dot_general(
        cb, x, (((1,), (0,)), ((), ())),
        preferred_element_type=jnp.float32)
    dist = (jnp.sum(x * x, axis=0, keepdims=True)
            + jnp.sum(cb * cb, axis=1, keepdims=True)) - 2.0 * prod
    mins = jnp.min(dist, axis=0, keepdims=True)
    iota = jax.lax.broadcasted_iota(jnp.int32, dist.shape, 0)
    idx = jnp.min(jnp.where(dist == mins, iota, _K), axis=0, keepdims=True)
    onehot = (iota == idx).astype(jnp.float32)
    q = jax.lax.dot_general(
        cbt, onehot, (((1,), (0,)), ((), ())),
        preferred_element_type=jnp.float32)
    pol_ref[0] = q
    qnt_ref[0] = q


def _sc_body(cbt_hbm, out_hbm, buf, sem):
    wid = lax.axis_index("s") * 2 + lax.axis_index("c")
    for g in range(_G):
        pltpu.sync_copy(cbt_hbm, buf.at[g])
    base = wid * _BPW
    copies = [
        pltpu.async_copy(buf, out_hbm.at[pl.ds(base + j * _G, _G)], sem)
        for j in range(_BPW // _G)
    ]
    for cp in copies:
        cp.wait()


@functools.partial(jax.jit, static_argnames=())
def kernel(latent, codebook):
    lat_t = latent.transpose(1, 2, 0)
    cbt = codebook.T
    pol, qnt = pl.pallas_call(
        _tc_body,
        grid=(_L,),
        in_specs=[
            pl.BlockSpec((1, _D, _NB), lambda l: (l, 0, 0)),
            pl.BlockSpec((_K, _D), lambda l: (0, 0)),
            pl.BlockSpec((_D, _K), lambda l: (0, 0)),
        ],
        out_specs=[
            pl.BlockSpec((1, _D, _NB), lambda l: (l, 0, 0)),
            pl.BlockSpec((1, _D, _NB), lambda l: (l, 0, 0)),
        ],
        out_shape=[
            jax.ShapeDtypeStruct((_L, _D, _B), jnp.float32),
            jax.ShapeDtypeStruct((_L, _D, _B), jnp.float32),
        ],
        compiler_params=pltpu.CompilerParams(
            dimension_semantics=("arbitrary",),
        ),
    )(lat_t, codebook, cbt)

    sc_bcast = pl.kernel(
        _sc_body,
        out_type=jax.ShapeDtypeStruct((_B, _D, _K), jnp.float32),
        mesh=plsc.VectorSubcoreMesh(core_axis_name="c", subcore_axis_name="s"),
        scratch_types=[
            pltpu.VMEM((_G, _D, _K), jnp.float32),
            pltpu.SemaphoreType.DMA,
        ],
    )
    cset_t = sc_bcast(cbt)

    pol = pol.transpose(2, 0, 1)
    qnt = qnt.transpose(2, 0, 1)
    return (pol, qnt, cset_t.transpose(0, 2, 1))

# --- scband reference (transcript-rebuilt; emitter-appended) ---
"""Pipeline reference for scband-ematran-vector-quantizer-65292092834256 (READ-ONLY COPY).

The authoritative reference and input builder live on the scoring server;
editing this copy changes nothing except your own understanding.
"""

import jax, jax.numpy as jnp
import numpy as np

CODEBOOK_SIZE = 128
EMBED_DIM = 32
LATENT_SIZE = 8
BATCH = 4096


def setup_inputs(seed: int = 0) -> dict:
    key = jax.random.key(seed)
    k1, k2 = jax.random.split(key)
    latent = jax.random.normal(k1, (BATCH, LATENT_SIZE, EMBED_DIM), dtype=jnp.float32)
    codebook = jax.random.uniform(
        k2, (CODEBOOK_SIZE, EMBED_DIM), dtype=jnp.float32,
        minval=-1.0 / CODEBOOK_SIZE, maxval=1.0 / CODEBOOK_SIZE)
    return {"latent": latent, "codebook": codebook}


def reference(latent, codebook):
    # Flatten to (N, embedding_dim) as in torch .view(-1, embedding_dim)
    flat = latent.reshape(-1, EMBED_DIM)
    # Squared L2 distances to every codebook entry
    distances = (
        jnp.sum(flat ** 2, axis=-1, keepdims=True)
        + jnp.sum(codebook ** 2, axis=-1)
        - 2.0 * jnp.matmul(flat, codebook.T)
    )
    encoding_indices = jnp.argmin(distances, axis=-1)
    # One-hot encodings (equivalent to torch scatter_ of ones)
    encodings = jax.nn.one_hot(encoding_indices, CODEBOOK_SIZE, dtype=flat.dtype)
    quantized_latent = jnp.matmul(encodings, codebook).reshape(latent.shape)
    # Straight-through estimator
    policy_vq_latent = latent + jax.lax.stop_gradient(quantized_latent - latent)
    # Codebook expanded over the leading latent-set dimension
    codebook_set = jnp.broadcast_to(
        codebook[None, :, :], (latent.shape[0], CODEBOOK_SIZE, EMBED_DIM))
    return (policy_vq_latent, quantized_latent, codebook_set)

if __name__ == "__main__":
    import jax
    _d = setup_inputs()
    print(jax.jit(kernel)(*tuple(_d.values())))

</pallas_src>

<mosaic_0001>
#map = affine_map<(d0, d1) -> (0, 0)>
#map1 = affine_map<(d0, d1) -> (0, 0, 0)>
module attributes {stable_mosaic.version = 14 : i64} {
  func.func @_sc_body(%arg0: i32, %arg1: i32, %arg2: memref<32x128xf32, #tpu.memory_space<hbm>>, %arg3: memref<4096x32x128xf32, #tpu.memory_space<hbm>>, %arg4: memref<8x32x128xf32, #tpu.memory_space<vmem>>, %arg5: memref<!tpu.dma_semaphore, #tpu.memory_space<semaphore_mem>>) attributes {dimension_semantics = [#tpu.dimension_semantics<core_parallel>, #tpu.dimension_semantics<subcore_parallel>], iteration_bounds = array<i64: 2, 16>, scalar_prefetch = 0 : i64, scratch_operands = 2 : i64, tpu.core_type = #tpu.core_type<sc_vector_subcore>, window_params = [{transform_indices = #map}, {transform_indices = #map1}]} {
    %mul3A = arith.constant 2 : i32
    %mul3A_0 = arith.muli %arg1, %mul3A : i32
    %add3A = arith.addi %mul3A_0, %arg0 : i32
    %run_scoped3A = arith.constant 0 : i32
    "tpu.region"() ({
      %run_scoped3A_232 = tpu.sem_alloc : memref<!tpu.dma_semaphore, #tpu.memory_space<semaphore_mem>>
      %dma_start3A_233 = arith.constant 0 : i32
      %dma_start3A_234 = arith.constant 0 : i32
      %dma_start3A_235 = tpu.memref_slice %arg4[%run_scoped3A, %dma_start3A_233, %dma_start3A_234] : memref<8x32x128xf32, #tpu.memory_space<vmem>> -> memref<1x32x128xf32, #tpu.memory_space<vmem>>
      %dma_start3A_236 = tpu.memref_squeeze %dma_start3A_235 : memref<1x32x128xf32, #tpu.memory_space<vmem>> -> memref<32x128xf32, #tpu.memory_space<vmem>>
      %dma_start3A_237 = arith.constant 0 : i32
      %dma_start3A_238 = arith.constant 0 : i32
      %dma_start3A_239 = tpu.memref_slice %arg4[%run_scoped3A, %dma_start3A_237, %dma_start3A_238] : memref<8x32x128xf32, #tpu.memory_space<vmem>> -> memref<1x32x128xf32, #tpu.memory_space<vmem>>
      %dma_start3A_240 = tpu.memref_squeeze %dma_start3A_239 : memref<1x32x128xf32, #tpu.memory_space<vmem>> -> memref<32x128xf32, #tpu.memory_space<vmem>>
      tpu.enqueue_dma source(%arg2 : memref<32x128xf32, #tpu.memory_space<hbm>>) target(%dma_start3A_240 : memref<32x128xf32, #tpu.memory_space<vmem>>) target_semaphore(%run_scoped3A_232 : memref<!tpu.dma_semaphore, #tpu.memory_space<semaphore_mem>>)
      %dma_wait3A_241 = arith.constant 0 : i32
      %dma_wait3A_242 = arith.constant 0 : i32
      %dma_wait3A_243 = tpu.memref_slice %arg4[%run_scoped3A, %dma_wait3A_241, %dma_wait3A_242] : memref<8x32x128xf32, #tpu.memory_space<vmem>> -> memref<1x32x128xf32, #tpu.memory_space<vmem>>
      %dma_wait3A_244 = tpu.memref_squeeze %dma_wait3A_243 : memref<1x32x128xf32, #tpu.memory_space<vmem>> -> memref<32x128xf32, #tpu.memory_space<vmem>>
      %dma_wait3A_245 = arith.constant 0 : i32
      %dma_wait3A_246 = arith.constant 0 : i32
      %dma_wait3A_247 = tpu.memref_slice %arg4[%run_scoped3A, %dma_wait3A_245, %dma_wait3A_246] : memref<8x32x128xf32, #tpu.memory_space<vmem>> -> memref<1x32x128xf32, #tpu.memory_space<vmem>>
      %dma_wait3A_248 = tpu.memref_squeeze %dma_wait3A_247 : memref<1x32x128xf32, #tpu.memory_space<vmem>> -> memref<32x128xf32, #tpu.memory_space<vmem>>
      tpu.wait_dma2 semaphore(%run_scoped3A_232 : memref<!tpu.dma_semaphore, #tpu.memory_space<semaphore_mem>>) src(%arg2 : memref<32x128xf32, #tpu.memory_space<hbm>>) dst(%dma_wait3A_248 : memref<32x128xf32, #tpu.memory_space<vmem>>)
      tpu.yield
    }) : () -> ()
    %run_scoped3A_1 = arith.constant 1 : i32
    "tpu.region"() ({
      %run_scoped3A_232 = tpu.sem_alloc : memref<!tpu.dma_semaphore, #tpu.memory_space<semaphore_mem>>
      %dma_start3A_233 = arith.constant 0 : i32
      %dma_start3A_234 = arith.constant 0 : i32
      %dma_start3A_235 = tpu.memref_slice %arg4[%run_scoped3A_1, %dma_start3A_233, %dma_start3A_234] : memref<8x32x128xf32, #tpu.memory_space<vmem>> -> memref<1x32x128xf32, #tpu.memory_space<vmem>>
      %dma_start3A_236 = tpu.memref_squeeze %dma_start3A_235 : memref<1x32x128xf32, #tpu.memory_space<vmem>> -> memref<32x128xf32, #tpu.memory_space<vmem>>
      %dma_start3A_237 = arith.constant 0 : i32
      %dma_start3A_238 = arith.constant 0 : i32
      %dma_start3A_239 = tpu.memref_slice %arg4[%run_scoped3A_1, %dma_start3A_237, %dma_start3A_238] : memref<8x32x128xf32, #tpu.memory_space<vmem>> -> memref<1x32x128xf32, #tpu.memory_space<vmem>>
      %dma_start3A_240 = tpu.memref_squeeze %dma_start3A_239 : memref<1x32x128xf32, #tpu.memory_space<vmem>> -> memref<32x128xf32, #tpu.memory_space<vmem>>
      tpu.enqueue_dma source(%arg2 : memref<32x128xf32, #tpu.memory_space<hbm>>) target(%dma_start3A_240 : memref<32x128xf32, #tpu.memory_space<vmem>>) target_semaphore(%run_scoped3A_232 : memref<!tpu.dma_semaphore, #tpu.memory_space<semaphore_mem>>)
      %dma_wait3A_241 = arith.constant 0 : i32
      %dma_wait3A_242 = arith.constant 0 : i32
      %dma_wait3A_243 = tpu.memref_slice %arg4[%run_scoped3A_1, %dma_wait3A_241, %dma_wait3A_242] : memref<8x32x128xf32, #tpu.memory_space<vmem>> -> memref<1x32x128xf32, #tpu.memory_space<vmem>>
      %dma_wait3A_244 = tpu.memref_squeeze %dma_wait3A_243 : memref<1x32x128xf32, #tpu.memory_space<vmem>> -> memref<32x128xf32, #tpu.memory_space<vmem>>
      %dma_wait3A_245 = arith.constant 0 : i32
      %dma_wait3A_246 = arith.constant 0 : i32
      %dma_wait3A_247 = tpu.memref_slice %arg4[%run_scoped3A_1, %dma_wait3A_245, %dma_wait3A_246] : memref<8x32x128xf32, #tpu.memory_space<vmem>> -> memref<1x32x128xf32, #tpu.memory_space<vmem>>
      %dma_wait3A_248 = tpu.memref_squeeze %dma_wait3A_247 : memref<1x32x128xf32, #tpu.memory_space<vmem>> -> memref<32x128xf32, #tpu.memory_space<vmem>>
      tpu.wait_dma2 semaphore(%run_scoped3A_232 : memref<!tpu.dma_semaphore, #tpu.memory_space<semaphore_mem>>) src(%arg2 : memref<32x128xf32, #tpu.memory_space<hbm>>) dst(%dma_wait3A_248 : memref<32x128xf32, #tpu.memory_space<vmem>>)
      tpu.yield
    }) : () -> ()
    %run_scoped3A_2 = arith.constant 2 : i32
    "tpu.region"() ({
      %run_scoped3A_232 = tpu.sem_alloc : memref<!tpu.dma_semaphore, #tpu.memory_space<semaphore_mem>>
      %dma_start3A_233 = arith.constant 0 : i32
      %dma_start3A_234 = arith.constant 0 : i32
      %dma_start3A_235 = tpu.memref_slice %arg4[%run_scoped3A_2, %dma_start3A_233, %dma_start3A_234] : memref<8x32x128xf32, #tpu.memory_space<vmem>> -> memref<1x32x128xf32, #tpu.memory_space<vmem>>
      %dma_start3A_236 = tpu.memref_squeeze %dma_start3A_235 : memref<1x32x128xf32, #tpu.memory_space<vmem>> -> memref<32x128xf32, #tpu.memory_space<vmem>>
      %dma_start3A_237 = arith.constant 0 : i32
      %dma_start3A_238 = arith.constant 0 : i32
      %dma_start3A_239 = tpu.memref_slice %arg4[%run_scoped3A_2, %dma_start3A_237, %dma_start3A_238] : memref<8x32x128xf32, #tpu.memory_space<vmem>> -> memref<1x32x128xf32, #tpu.memory_space<vmem>>
      %dma_start3A_240 = tpu.memref_squeeze %dma_start3A_239 : memref<1x32x128xf32, #tpu.memory_space<vmem>> -> memref<32x128xf32, #tpu.memory_space<vmem>>
      tpu.enqueue_dma source(%arg2 : memref<32x128xf32, #tpu.memory_space<hbm>>) target(%dma_start3A_240 : memref<32x128xf32, #tpu.memory_space<vmem>>) target_semaphore(%run_scoped3A_232 : memref<!tpu.dma_semaphore, #tpu.memory_space<semaphore_mem>>)
      %dma_wait3A_241 = arith.constant 0 : i32
      %dma_wait3A_242 = arith.constant 0 : i32
      %dma_wait3A_243 = tpu.memref_slice %arg4[%run_scoped3A_2, %dma_wait3A_241, %dma_wait3A_242] : memref<8x32x128xf32, #tpu.memory_space<vmem>> -> memref<1x32x128xf32, #tpu.memory_space<vmem>>
      %dma_wait3A_244 = tpu.memref_squeeze %dma_wait3A_243 : memref<1x32x128xf32, #tpu.memory_space<vmem>> -> memref<32x128xf32, #tpu.memory_space<vmem>>
      %dma_wait3A_245 = arith.constant 0 : i32
      %dma_wait3A_246 = arith.constant 0 : i32
      %dma_wait3A_247 = tpu.memref_slice %arg4[%run_scoped3A_2, %dma_wait3A_245, %dma_wait3A_246] : memref<8x32x128xf32, #tpu.memory_space<vmem>> -> memref<1x32x128xf32, #tpu.memory_space<vmem>>
      %dma_wait3A_248 = tpu.memref_squeeze %dma_wait3A_247 : memref<1x32x128xf32, #tpu.memory_space<vmem>> -> memref<32x128xf32, #tpu.memory_space<vmem>>
      tpu.wait_dma2 semaphore(%run_scoped3A_232 : memref<!tpu.dma_semaphore, #tpu.memory_space<semaphore_mem>>) src(%arg2 : memref<32x128xf32, #tpu.memory_space<hbm>>) dst(%dma_wait3A_248 : memref<32x128xf32, #tpu.memory_space<vmem>>)
      tpu.yield
    }) : () -> ()
    %run_scoped3A_3 = arith.constant 3 : i32
    "tpu.region"() ({
      %run_scoped3A_232 = tpu.sem_alloc : memref<!tpu.dma_semaphore, #tpu.memory_space<semaphore_mem>>
      %dma_start3A_233 = arith.constant 0 : i32
      %dma_start3A_234 = arith.constant 0 : i32
      %dma_start3A_235 = tpu.memref_slice %arg4[%run_scoped3A_3, %dma_start3A_233, %dma_start3A_234] : memref<8x32x128xf32, #tpu.memory_space<vmem>> -> memref<1x32x128xf32, #tpu.memory_space<vmem>>
      %dma_start3A_236 = tpu.memref_squeeze %dma_start3A_235 : memref<1x32x128xf32, #tpu.memory_space<vmem>> -> memref<32x128xf32, #tpu.memory_space<vmem>>
      %dma_start3A_237 = arith.constant 0 : i32
      %dma_start3A_238 = arith.constant 0 : i32
      %dma_start3A_239 = tpu.memref_slice %arg4[%run_scoped3A_3, %dma_start3A_237, %dma_start3A_238] : memref<8x32x128xf32, #tpu.memory_space<vmem>> -> memref<1x32x128xf32, #tpu.memory_space<vmem>>
      %dma_start3A_240 = tpu.memref_squeeze %dma_start3A_239 : memref<1x32x128xf32, #tpu.memory_space<vmem>> -> memref<32x128xf32, #tpu.memory_space<vmem>>
      tpu.enqueue_dma source(%arg2 : memref<32x128xf32, #tpu.memory_space<hbm>>) target(%dma_start3A_240 : memref<32x128xf32, #tpu.memory_space<vmem>>) target_semaphore(%run_scoped3A_232 : memref<!tpu.dma_semaphore, #tpu.memory_space<semaphore_mem>>)
      %dma_wait3A_241 = arith.constant 0 : i32
      %dma_wait3A_242 = arith.constant 0 : i32
      %dma_wait3A_243 = tpu.memref_slice %arg4[%run_scoped3A_3, %dma_wait3A_241, %dma_wait3A_242] : memref<8x32x128xf32, #tpu.memory_space<vmem>> -> memref<1x32x128xf32, #tpu.memory_space<vmem>>
      %dma_wait3A_244 = tpu.memref_squeeze %dma_wait3A_243 : memref<1x32x128xf32, #tpu.memory_space<vmem>> -> memref<32x128xf32, #tpu.memory_space<vmem>>
      %dma_wait3A_245 = arith.constant 0 : i32
      %dma_wait3A_246 = arith.constant 0 : i32
      %dma_wait3A_247 = tpu.memref_slice %arg4[%run_scoped3A_3, %dma_wait3A_245, %dma_wait3A_246] : memref<8x32x128xf32, #tpu.memory_space<vmem>> -> memref<1x32x128xf32, #tpu.memory_space<vmem>>
      %dma_wait3A_248 = tpu.memref_squeeze %dma_wait3A_247 : memref<1x32x128xf32, #tpu.memory_space<vmem>> -> memref<32x128xf32, #tpu.memory_space<vmem>>
      tpu.wait_dma2 semaphore(%run_scoped3A_232 : memref<!tpu.dma_semaphore, #tpu.memory_space<semaphore_mem>>) src(%arg2 : memref<32x128xf32, #tpu.memory_space<hbm>>) dst(%dma_wait3A_248 : memref<32x128xf32, #tpu.memory_space<vmem>>)
      tpu.yield
    }) : () -> ()
    %run_scoped3A_4 = arith.constant 4 : i32
    "tpu.region"() ({
      %run_scoped3A_232 = tpu.sem_alloc : memref<!tpu.dma_semaphore, #tpu.memory_space<semaphore_mem>>
      %dma_start3A_233 = arith.constant 0 : i32
      %dma_start3A_234 = arith.constant 0 : i32
      %dma_start3A_235 = tpu.memref_slice %arg4[%run_scoped3A_4, %dma_start3A_233, %dma_start3A_234] : memref<8x32x128xf32, #tpu.memory_space<vmem>> -> memref<1x32x128xf32, #tpu.memory_space<vmem>>
      %dma_start3A_236 = tpu.memref_squeeze %dma_start3A_235 : memref<1x32x128xf32, #tpu.memory_space<vmem>> -> memref<32x128xf32, #tpu.memory_space<vmem>>
      %dma_start3A_237 = arith.constant 0 : i32
      %dma_start3A_238 = arith.constant 0 : i32
      %dma_start3A_239 = tpu.memref_slice %arg4[%run_scoped3A_4, %dma_start3A_237, %dma_start3A_238] : memref<8x32x128xf32, #tpu.memory_space<vmem>> -> memref<1x32x128xf32, #tpu.memory_space<vmem>>
      %dma_start3A_240 = tpu.memref_squeeze %dma_start3A_239 : memref<1x32x128xf32, #tpu.memory_space<vmem>> -> memref<32x128xf32, #tpu.memory_space<vmem>>
      tpu.enqueue_dma source(%arg2 : memref<32x128xf32, #tpu.memory_space<hbm>>) target(%dma_start3A_240 : memref<32x128xf32, #tpu.memory_space<vmem>>) target_semaphore(%run_scoped3A_232 : memref<!tpu.dma_semaphore, #tpu.memory_space<semaphore_mem>>)
      %dma_wait3A_241 = arith.constant 0 : i32
      %dma_wait3A_242 = arith.constant 0 : i32
      %dma_wait3A_243 = tpu.memref_slice %arg4[%run_scoped3A_4, %dma_wait3A_241, %dma_wait3A_242] : memref<8x32x128xf32, #tpu.memory_space<vmem>> -> memref<1x32x128xf32, #tpu.memory_space<vmem>>
      %dma_wait3A_244 = tpu.memref_squeeze %dma_wait3A_243 : memref<1x32x128xf32, #tpu.memory_space<vmem>> -> memref<32x128xf32, #tpu.memory_space<vmem>>
      %dma_wait3A_245 = arith.constant 0 : i32
      %dma_wait3A_246 = arith.constant 0 : i32
      %dma_wait3A_247 = tpu.memref_slice %arg4[%run_scoped3A_4, %dma_wait3A_245, %dma_wait3A_246] : memref<8x32x128xf32, #tpu.memory_space<vmem>> -> memref<1x32x128xf32, #tpu.memory_space<vmem>>
      %dma_wait3A_248 = tpu.memref_squeeze %dma_wait3A_247 : memref<1x32x128xf32, #tpu.memory_space<vmem>> -> memref<32x128xf32, #tpu.memory_space<vmem>>
      tpu.wait_dma2 semaphore(%run_scoped3A_232 : memref<!tpu.dma_semaphore, #tpu.memory_space<semaphore_mem>>) src(%arg2 : memref<32x128xf32, #tpu.memory_space<hbm>>) dst(%dma_wait3A_248 : memref<32x128xf32, #tpu.memory_space<vmem>>)
      tpu.yield
    }) : () -> ()
    %run_scoped3A_5 = arith.constant 5 : i32
    "tpu.region"() ({
      %run_scoped3A_232 = tpu.sem_alloc : memref<!tpu.dma_semaphore, #tpu.memory_space<semaphore_mem>>
      %dma_start3A_233 = arith.constant 0 : i32
      %dma_start3A_234 = arith.constant 0 : i32
      %dma_start3A_235 = tpu.memref_slice %arg4[%run_scoped3A_5, %dma_start3A_233, %dma_start3A_234] : memref<8x32x128xf32, #tpu.memory_space<vmem>> -> memref<1x32x128xf32, #tpu.memory_space<vmem>>
      %dma_start3A_236 = tpu.memref_squeeze %dma_start3A_235 : memref<1x32x128xf32, #tpu.memory_space<vmem>> -> memref<32x128xf32, #tpu.memory_space<vmem>>
      %dma_start3A_237 = arith.constant 0 : i32
      %dma_start3A_238 = arith.constant 0 : i32
      %dma_start3A_239 = tpu.memref_slice %arg4[%run_scoped3A_5, %dma_start3A_237, %dma_start3A_238] : memref<8x32x128xf32, #tpu.memory_space<vmem>> -> memref<1x32x128xf32, #tpu.memory_space<vmem>>
      %dma_start3A_240 = tpu.memref_squeeze %dma_start3A_239 : memref<1x32x128xf32, #tpu.memory_space<vmem>> -> memref<32x128xf32, #tpu.memory_space<vmem>>
      tpu.enqueue_dma source(%arg2 : memref<32x128xf32, #tpu.memory_space<hbm>>) target(%dma_start3A_240 : memref<32x128xf32, #tpu.memory_space<vmem>>) target_semaphore(%run_scoped3A_232 : memref<!tpu.dma_semaphore, #tpu.memory_space<semaphore_mem>>)
      %dma_wait3A_241 = arith.constant 0 : i32
      %dma_wait3A_242 = arith.constant 0 : i32
      %dma_wait3A_243 = tpu.memref_slice %arg4[%run_scoped3A_5, %dma_wait3A_241, %dma_wait3A_242] : memref<8x32x128xf32, #tpu.memory_space<vmem>> -> memref<1x32x128xf32, #tpu.memory_space<vmem>>
      %dma_wait3A_244 = tpu.memref_squeeze %dma_wait3A_243 : memref<1x32x128xf32, #tpu.memory_space<vmem>> -> memref<32x128xf32, #tpu.memory_space<vmem>>
      %dma_wait3A_245 = arith.constant 0 : i32
      %dma_wait3A_246 = arith.constant 0 : i32
      %dma_wait3A_247 = tpu.memref_slice %arg4[%run_scoped3A_5, %dma_wait3A_245, %dma_wait3A_246] : memref<8x32x128xf32, #tpu.memory_space<vmem>> -> memref<1x32x128xf32, #tpu.memory_space<vmem>>
      %dma_wait3A_248 = tpu.memref_squeeze %dma_wait3A_247 : memref<1x32x128xf32, #tpu.memory_space<vmem>> -> memref<32x128xf32, #tpu.memory_space<vmem>>
      tpu.wait_dma2 semaphore(%run_scoped3A_232 : memref<!tpu.dma_semaphore, #tpu.memory_space<semaphore_mem>>) src(%arg2 : memref<32x128xf32, #tpu.memory_space<hbm>>) dst(%dma_wait3A_248 : memref<32x128xf32, #tpu.memory_space<vmem>>)
      tpu.yield
    }) : () -> ()
    %run_scoped3A_6 = arith.constant 6 : i32
    "tpu.region"() ({
      %run_scoped3A_232 = tpu.sem_alloc : memref<!tpu.dma_semaphore, #tpu.memory_space<semaphore_mem>>
      %dma_start3A_233 = arith.constant 0 : i32
      %dma_start3A_234 = arith.constant 0 : i32
      %dma_start3A_235 = tpu.memref_slice %arg4[%run_scoped3A_6, %dma_start3A_233, %dma_start3A_234] : memref<8x32x128xf32, #tpu.memory_space<vmem>> -> memref<1x32x128xf32, #tpu.memory_space<vmem>>
      %dma_start3A_236 = tpu.memref_squeeze %dma_start3A_235 : memref<1x32x128xf32, #tpu.memory_space<vmem>> -> memref<32x128xf32, #tpu.memory_space<vmem>>
      %dma_start3A_237 = arith.constant 0 : i32
      %dma_start3A_238 = arith.constant 0 : i32
      %dma_start3A_239 = tpu.memref_slice %arg4[%run_scoped3A_6, %dma_start3A_237, %dma_start3A_238] : memref<8x32x128xf32, #tpu.memory_space<vmem>> -> memref<1x32x128xf32, #tpu.memory_space<vmem>>
      %dma_start3A_240 = tpu.memref_squeeze %dma_start3A_239 : memref<1x32x128xf32, #tpu.memory_space<vmem>> -> memref<32x128xf32, #tpu.memory_space<vmem>>
      tpu.enqueue_dma source(%arg2 : memref<32x128xf32, #tpu.memory_space<hbm>>) target(%dma_start3A_240 : memref<32x128xf32, #tpu.memory_space<vmem>>) target_semaphore(%run_scoped3A_232 : memref<!tpu.dma_semaphore, #tpu.memory_space<semaphore_mem>>)
      %dma_wait3A_241 = arith.constant 0 : i32
      %dma_wait3A_242 = arith.constant 0 : i32
      %dma_wait3A_243 = tpu.memref_slice %arg4[%run_scoped3A_6, %dma_wait3A_241, %dma_wait3A_242] : memref<8x32x128xf32, #tpu.memory_space<vmem>> -> memref<1x32x128xf32, #tpu.memory_space<vmem>>
      %dma_wait3A_244 = tpu.memref_squeeze %dma_wait3A_243 : memref<1x32x128xf32, #tpu.memory_space<vmem>> -> memref<32x128xf32, #tpu.memory_space<vmem>>
      %dma_wait3A_245 = arith.constant 0 : i32
      %dma_wait3A_246 = arith.constant 0 : i32
      %dma_wait3A_247 = tpu.memref_slice %arg4[%run_scoped3A_6, %dma_wait3A_245, %dma_wait3A_246] : memref<8x32x128xf32, #tpu.memory_space<vmem>> -> memref<1x32x128xf32, #tpu.memory_space<vmem>>
      %dma_wait3A_248 = tpu.memref_squeeze %dma_wait3A_247 : memref<1x32x128xf32, #tpu.memory_space<vmem>> -> memref<32x128xf32, #tpu.memory_space<vmem>>
      tpu.wait_dma2 semaphore(%run_scoped3A_232 : memref<!tpu.dma_semaphore, #tpu.memory_space<semaphore_mem>>) src(%arg2 : memref<32x128xf32, #tpu.memory_space<hbm>>) dst(%dma_wait3A_248 : memref<32x128xf32, #tpu.memory_space<vmem>>)
      tpu.yield
    }) : () -> ()
    %run_scoped3A_7 = arith.constant 7 : i32
    "tpu.region"() ({
      %run_scoped3A_232 = tpu.sem_alloc : memref<!tpu.dma_semaphore, #tpu.memory_space<semaphore_mem>>
      %dma_start3A_233 = arith.constant 0 : i32
      %dma_start3A_234 = arith.constant 0 : i32
      %dma_start3A_235 = tpu.memref_slice %arg4[%run_scoped3A_7, %dma_start3A_233, %dma_start3A_234] : memref<8x32x128xf32, #tpu.memory_space<vmem>> -> memref<1x32x128xf32, #tpu.memory_space<vmem>>
      %dma_start3A_236 = tpu.memref_squeeze %dma_start3A_235 : memref<1x32x128xf32, #tpu.memory_space<vmem>> -> memref<32x128xf32, #tpu.memory_space<vmem>>
      %dma_start3A_237 = arith.constant 0 : i32
      %dma_start3A_238 = arith.constant 0 : i32
      %dma_start3A_239 = tpu.memref_slice %arg4[%run_scoped3A_7, %dma_start3A_237, %dma_start3A_238] : memref<8x32x128xf32, #tpu.memory_space<vmem>> -> memref<1x32x128xf32, #tpu.memory_space<vmem>>
      %dma_start3A_240 = tpu.memref_squeeze %dma_start3A_239 : memref<1x32x128xf32, #tpu.memory_space<vmem>> -> memref<32x128xf32, #tpu.memory_space<vmem>>
      tpu.enqueue_dma source(%arg2 : memref<32x128xf32, #tpu.memory_space<hbm>>) target(%dma_start3A_240 : memref<32x128xf32, #tpu.memory_space<vmem>>) target_semaphore(%run_scoped3A_232 : memref<!tpu.dma_semaphore, #tpu.memory_space<semaphore_mem>>)
      %dma_wait3A_241 = arith.constant 0 : i32
      %dma_wait3A_242 = arith.constant 0 : i32
      %dma_wait3A_243 = tpu.memref_slice %arg4[%run_scoped3A_7, %dma_wait3A_241, %dma_wait3A_242] : memref<8x32x128xf32, #tpu.memory_space<vmem>> -> memref<1x32x128xf32, #tpu.memory_space<vmem>>
      %dma_wait3A_244 = tpu.memref_squeeze %dma_wait3A_243 : memref<1x32x128xf32, #tpu.memory_space<vmem>> -> memref<32x128xf32, #tpu.memory_space<vmem>>
      %dma_wait3A_245 = arith.constant 0 : i32
      %dma_wait3A_246 = arith.constant 0 : i32
      %dma_wait3A_247 = tpu.memref_slice %arg4[%run_scoped3A_7, %dma_wait3A_245, %dma_wait3A_246] : memref<8x32x128xf32, #tpu.memory_space<vmem>> -> memref<1x32x128xf32, #tpu.memory_space<vmem>>
      %dma_wait3A_248 = tpu.memref_squeeze %dma_wait3A_247 : memref<1x32x128xf32, #tpu.memory_space<vmem>> -> memref<32x128xf32, #tpu.memory_space<vmem>>
      tpu.wait_dma2 semaphore(%run_scoped3A_232 : memref<!tpu.dma_semaphore, #tpu.memory_space<semaphore_mem>>) src(%arg2 : memref<32x128xf32, #tpu.memory_space<hbm>>) dst(%dma_wait3A_248 : memref<32x128xf32, #tpu.memory_space<vmem>>)
      tpu.yield
    }) : () -> ()
    %mul3A_8 = arith.constant 128 : i32
    %mul3A_9 = arith.muli %add3A, %mul3A_8 : i32
    %add3A_10 = arith.constant 0 : i32
    %add3A_11 = arith.addi %mul3A_9, %add3A_10 : i32
    %dma_start3A = arith.constant 0 : i32
    %dma_start3A_12 = arith.constant 0 : i32
    %dma_start3A_13 = tpu.memref_slice %arg3[%add3A_11, %dma_start3A, %dma_start3A_12] : memref<4096x32x128xf32, #tpu.memory_space<hbm>> -> memref<8x32x128xf32, #tpu.memory_space<hbm>>
    %dma_start3A_14 = arith.constant 0 : i32
    %dma_start3A_15 = arith.constant 0 : i32
    %dma_start3A_16 = tpu.memref_slice %arg3[%add3A_11, %dma_start3A_14, %dma_start3A_15] : memref<4096x32x128xf32, #tpu.memory_space<hbm>> -> memref<8x32x128xf32, #tpu.memory_space<hbm>>
    tpu.enqueue_dma source(%arg4 : memref<8x32x128xf32, #tpu.memory_space<vmem>>) target(%dma_start3A_16 : memref<8x32x128xf32, #tpu.memory_space<hbm>>) target_semaphore(%arg5 : memref<!tpu.dma_semaphore, #tpu.memory_space<semaphore_mem>>)
    %add3A_17 = arith.constant 8 : i32
    %add3A_18 = arith.addi %mul3A_9, %add3A_17 : i32
    %dma_start3A_19 = arith.constant 0 : i32
    %dma_start3A_20 = arith.constant 0 : i32
    %dma_start3A_21 = tpu.memref_slice %arg3[%add3A_18, %dma_start3A_19, %dma_start3A_20] : memref<4096x32x128xf32, #tpu.memory_space<hbm>> -> memref<8x32x128xf32, #tpu.memory_space<hbm>>
    %dma_start3A_22 = arith.constant 0 : i32
    %dma_start3A_23 = arith.constant 0 : i32
    %dma_start3A_24 = tpu.memref_slice %arg3[%add3A_18, %dma_start3A_22, %dma_start3A_23] : memref<4096x32x128xf32, #tpu.memory_space<hbm>> -> memref<8x32x128xf32, #tpu.memory_space<hbm>>
    tpu.enqueue_dma source(%arg4 : memref<8x32x128xf32, #tpu.memory_space<vmem>>) target(%dma_start3A_24 : memref<8x32x128xf32, #tpu.memory_space<hbm>>) target_semaphore(%arg5 : memref<!tpu.dma_semaphore, #tpu.memory_space<semaphore_mem>>)
    %add3A_25 = arith.constant 16 : i32
    %add3A_26 = arith.addi %mul3A_9, %add3A_25 : i32
    %dma_start3A_27 = arith.constant 0 : i32
    %dma_start3A_28 = arith.constant 0 : i32
    %dma_start3A_29 = tpu.memref_slice %arg3[%add3A_26, %dma_start3A_27, %dma_start3A_28] : memref<4096x32x128xf32, #tpu.memory_space<hbm>> -> memref<8x32x128xf32, #tpu.memory_space<hbm>>
    %dma_start3A_30 = arith.constant 0 : i32
    %dma_start3A_31 = arith.constant 0 : i32
    %dma_start3A_32 = tpu.memref_slice %arg3[%add3A_26, %dma_start3A_30, %dma_start3A_31] : memref<4096x32x128xf32, #tpu.memory_space<hbm>> -> memref<8x32x128xf32, #tpu.memory_space<hbm>>
    tpu.enqueue_dma source(%arg4 : memref<8x32x128xf32, #tpu.memory_space<vmem>>) target(%dma_start3A_32 : memref<8x32x128xf32, #tpu.memory_space<hbm>>) target_semaphore(%arg5 : memref<!tpu.dma_semaphore, #tpu.memory_space<semaphore_mem>>)
    %add3A_33 = arith.constant 24 : i32
    %add3A_34 = arith.addi %mul3A_9, %add3A_33 : i32
    %dma_start3A_35 = arith.constant 0 : i32
    %dma_start3A_36 = arith.constant 0 : i32
    %dma_start3A_37 = tpu.memref_slice %arg3[%add3A_34, %dma_start3A_35, %dma_start3A_36] : memref<4096x32x128xf32, #tpu.memory_space<hbm>> -> memref<8x32x128xf32, #tpu.memory_space<hbm>>
    %dma_start3A_38 = arith.constant 0 : i32
    %dma_start3A_39 = arith.constant 0 : i32
    %dma_start3A_40 = tpu.memref_slice %arg3[%add3A_34, %dma_start3A_38, %dma_start3A_39] : memref<4096x32x128xf32, #tpu.memory_space<hbm>> -> memref<8x32x128xf32, #tpu.memory_space<hbm>>
    tpu.enqueue_dma source(%arg4 : memref<8x32x128xf32, #tpu.memory_space<vmem>>) target(%dma_start3A_40 : memref<8x32x128xf32, #tpu.memory_space<hbm>>) target_semaphore(%arg5 : memref<!tpu.dma_semaphore, #tpu.memory_space<semaphore_mem>>)
    %add3A_41 = arith.constant 32 : i32
    %add3A_42 = arith.addi %mul3A_9, %add3A_41 : i32
    %dma_start3A_43 = arith.constant 0 : i32
    %dma_start3A_44 = arith.constant 0 : i32
    %dma_start3A_45 = tpu.memref_slice %arg3[%add3A_42, %dma_start3A_43, %dma_start3A_44] : memref<4096x32x128xf32, #tpu.memory_space<hbm>> -> memref<8x32x128xf32, #tpu.memory_space<hbm>>
    %dma_start3A_46 = arith.constant 0 : i32
    %dma_start3A_47 = arith.constant 0 : i32
    %dma_start3A_48 = tpu.memref_slice %arg3[%add3A_42, %dma_start3A_46, %dma_start3A_47] : memref<4096x32x128xf32, #tpu.memory_space<hbm>> -> memref<8x32x128xf32, #tpu.memory_space<hbm>>
    tpu.enqueue_dma source(%arg4 : memref<8x32x128xf32, #tpu.memory_space<vmem>>) target(%dma_start3A_48 : memref<8x32x128xf32, #tpu.memory_space<hbm>>) target_semaphore(%arg5 : memref<!tpu.dma_semaphore, #tpu.memory_space<semaphore_mem>>)
    %add3A_49 = arith.constant 40 : i32
    %add3A_50 = arith.addi %mul3A_9, %add3A_49 : i32
    %dma_start3A_51 = arith.constant 0 : i32
    %dma_start3A_52 = arith.constant 0 : i32
    %dma_start3A_53 = tpu.memref_slice %arg3[%add3A_50, %dma_start3A_51, %dma_start3A_52] : memref<4096x32x128xf32, #tpu.memory_space<hbm>> -> memref<8x32x128xf32, #tpu.memory_space<hbm>>
    %dma_start3A_54 = arith.constant 0 : i32
    %dma_start3A_55 = arith.constant 0 : i32
    %dma_start3A_56 = tpu.memref_slice %arg3[%add3A_50, %dma_start3A_54, %dma_start3A_55] : memref<4096x32x128xf32, #tpu.memory_space<hbm>> -> memref<8x32x128xf32, #tpu.memory_space<hbm>>
    tpu.enqueue_dma source(%arg4 : memref<8x32x128xf32, #tpu.memory_space<vmem>>) target(%dma_start3A_56 : memref<8x32x128xf32, #tpu.memory_space<hbm>>) target_semaphore(%arg5 : memref<!tpu.dma_semaphore, #tpu.memory_space<semaphore_mem>>)
    %add3A_57 = arith.constant 48 : i32
    %add3A_58 = arith.addi %mul3A_9, %add3A_57 : i32
    %dma_start3A_59 = arith.constant 0 : i32
    %dma_start3A_60 = arith.constant 0 : i32
    %dma_start3A_61 = tpu.memref_slice %arg3[%add3A_58, %dma_start3A_59, %dma_start3A_60] : memref<4096x32x128xf32, #tpu.memory_space<hbm>> -> memref<8x32x128xf32, #tpu.memory_space<hbm>>
    %dma_start3A_62 = arith.constant 0 : i32
    %dma_start3A_63 = arith.constant 0 : i32
    %dma_start3A_64 = tpu.memref_slice %arg3[%add3A_58, %dma_start3A_62, %dma_start3A_63] : memref<4096x32x128xf32, #tpu.memory_space<hbm>> -> memref<8x32x128xf32, #tpu.memory_space<hbm>>
    tpu.enqueue_dma source(%arg4 : memref<8x32x128xf32, #tpu.memory_space<vmem>>) target(%dma_start3A_64 : memref<8x32x128xf32, #tpu.memory_space<hbm>>) target_semaphore(%arg5 : memref<!tpu.dma_semaphore, #tpu.memory_space<semaphore_mem>>)
    %add3A_65 = arith.constant 56 : i32
    %add3A_66 = arith.addi %mul3A_9, %add3A_65 : i32
    %dma_start3A_67 = arith.constant 0 : i32
    %dma_start3A_68 = arith.constant 0 : i32
    %dma_start3A_69 = tpu.memref_slice %arg3[%add3A_66, %dma_start3A_67, %dma_start3A_68] : memref<4096x32x128xf32, #tpu.memory_space<hbm>> -> memref<8x32x128xf32, #tpu.memory_space<hbm>>
    %dma_start3A_70 = arith.constant 0 : i32
    %dma_start3A_71 = arith.constant 0 : i32
    %dma_start3A_72 = tpu.memref_slice %arg3[%add3A_66, %dma_start3A_70, %dma_start3A_71] : memref<4096x32x128xf32, #tpu.memory_space<hbm>> -> memref<8x32x128xf32, #tpu.memory_space<hbm>>
    tpu.enqueue_dma source(%arg4 : memref<8x32x128xf32, #tpu.memory_space<vmem>>) target(%dma_start3A_72 : memref<8x32x128xf32, #tpu.memory_space<hbm>>) target_semaphore(%arg5 : memref<!tpu.dma_semaphore, #tpu.memory_space<semaphore_mem>>)
    %add3A_73 = arith.constant 64 : i32
    %add3A_74 = arith.addi %mul3A_9, %add3A_73 : i32
    %dma_start3A_75 = arith.constant 0 : i32
    %dma_start3A_76 = arith.constant 0 : i32
    %dma_start3A_77 = tpu.memref_slice %arg3[%add3A_74, %dma_start3A_75, %dma_start3A_76] : memref<4096x32x128xf32, #tpu.memory_space<hbm>> -> memref<8x32x128xf32, #tpu.memory_space<hbm>>
    %dma_start3A_78 = arith.constant 0 : i32
    %dma_start3A_79 = arith.constant 0 : i32
    %dma_start3A_80 = tpu.memref_slice %arg3[%add3A_74, %dma_start3A_78, %dma_start3A_79] : memref<4096x32x128xf32, #tpu.memory_space<hbm>> -> memref<8x32x128xf32, #tpu.memory_space<hbm>>
    tpu.enqueue_dma source(%arg4 : memref<8x32x128xf32, #tpu.memory_space<vmem>>) target(%dma_start3A_80 : memref<8x32x128xf32, #tpu.memory_space<hbm>>) target_semaphore(%arg5 : memref<!tpu.dma_semaphore, #tpu.memory_space<semaphore_mem>>)
    %add3A_81 = arith.constant 72 : i32
    %add3A_82 = arith.addi %mul3A_9, %add3A_81 : i32
    %dma_start3A_83 = arith.constant 0 : i32
    %dma_start3A_84 = arith.constant 0 : i32
    %dma_start3A_85 = tpu.memref_slice %arg3[%add3A_82, %dma_start3A_83, %dma_start3A_84] : memref<4096x32x128xf32, #tpu.memory_space<hbm>> -> memref<8x32x128xf32, #tpu.memory_space<hbm>>
    %dma_start3A_86 = arith.constant 0 : i32
    %dma_start3A_87 = arith.constant 0 : i32
    %dma_start3A_88 = tpu.memref_slice %arg3[%add3A_82, %dma_start3A_86, %dma_start3A_87] : memref<4096x32x128xf32, #tpu.memory_space<hbm>> -> memref<8x32x128xf32, #tpu.memory_space<hbm>>
    tpu.enqueue_dma source(%arg4 : memref<8x32x128xf32, #tpu.memory_space<vmem>>) target(%dma_start3A_88 : memref<8x32x128xf32, #tpu.memory_space<hbm>>) target_semaphore(%arg5 : memref<!tpu.dma_semaphore, #tpu.memory_space<semaphore_mem>>)
    %add3A_89 = arith.constant 80 : i32
    %add3A_90 = arith.addi %mul3A_9, %add3A_89 : i32
    %dma_start3A_91 = arith.constant 0 : i32
    %dma_start3A_92 = arith.constant 0 : i32
    %dma_start3A_93 = tpu.memref_slice %arg3[%add3A_90, %dma_start3A_91, %dma_start3A_92] : memref<4096x32x128xf32, #tpu.memory_space<hbm>> -> memref<8x32x128xf32, #tpu.memory_space<hbm>>
    %dma_start3A_94 = arith.constant 0 : i32
    %dma_start3A_95 = arith.constant 0 : i32
    %dma_start3A_96 = tpu.memref_slice %arg3[%add3A_90, %dma_start3A_94, %dma_start3A_95] : memref<4096x32x128xf32, #tpu.memory_space<hbm>> -> memref<8x32x128xf32, #tpu.memory_space<hbm>>
    tpu.enqueue_dma source(%arg4 : memref<8x32x128xf32, #tpu.memory_space<vmem>>) target(%dma_start3A_96 : memref<8x32x128xf32, #tpu.memory_space<hbm>>) target_semaphore(%arg5 : memref<!tpu.dma_semaphore, #tpu.memory_space<semaphore_mem>>)
    %add3A_97 = arith.constant 88 : i32
    %add3A_98 = arith.addi %mul3A_9, %add3A_97 : i32
    %dma_start3A_99 = arith.constant 0 : i32
    %dma_start3A_100 = arith.constant 0 : i32
    %dma_start3A_101 = tpu.memref_slice %arg3[%add3A_98, %dma_start3A_99, %dma_start3A_100] : memref<4096x32x128xf32, #tpu.memory_space<hbm>> -> memref<8x32x128xf32, #tpu.memory_space<hbm>>
    %dma_start3A_102 = arith.constant 0 : i32
    %dma_start3A_103 = arith.constant 0 : i32
    %dma_start3A_104 = tpu.memref_slice %arg3[%add3A_98, %dma_start3A_102, %dma_start3A_103] : memref<4096x32x128xf32, #tpu.memory_space<hbm>> -> memref<8x32x128xf32, #tpu.memory_space<hbm>>
    tpu.enqueue_dma source(%arg4 : memref<8x32x128xf32, #tpu.memory_space<vmem>>) target(%dma_start3A_104 : memref<8x32x128xf32, #tpu.memory_space<hbm>>) target_semaphore(%arg5 : memref<!tpu.dma_semaphore, #tpu.memory_space<semaphore_mem>>)
    %add3A_105 = arith.constant 96 : i32
    %add3A_106 = arith.addi %mul3A_9, %add3A_105 : i32
    %dma_start3A_107 = arith.constant 0 : i32
    %dma_start3A_108 = arith.constant 0 : i32
    %dma_start3A_109 = tpu.memref_slice %arg3[%add3A_106, %dma_start3A_107, %dma_start3A_108] : memref<4096x32x128xf32, #tpu.memory_space<hbm>> -> memref<8x32x128xf32, #tpu.memory_space<hbm>>
    %dma_start3A_110 = arith.constant 0 : i32
    %dma_start3A_111 = arith.constant 0 : i32
    %dma_start3A_112 = tpu.memref_slice %arg3[%add3A_106, %dma_start3A_110, %dma_start3A_111] : memref<4096x32x128xf32, #tpu.memory_space<hbm>> -> memref<8x32x128xf32, #tpu.memory_space<hbm>>
    tpu.enqueue_dma source(%arg4 : memref<8x32x128xf32, #tpu.memory_space<vmem>>) target(%dma_start3A_112 : memref<8x32x128xf32, #tpu.memory_space<hbm>>) target_semaphore(%arg5 : memref<!tpu.dma_semaphore, #tpu.memory_space<semaphore_mem>>)
    %add3A_113 = arith.constant 104 : i32
    %add3A_114 = arith.addi %mul3A_9, %add3A_113 : i32
    %dma_start3A_115 = arith.constant 0 : i32
    %dma_start3A_116 = arith.constant 0 : i32
    %dma_start3A_117 = tpu.memref_slice %arg3[%add3A_114, %dma_start3A_115, %dma_start3A_116] : memref<4096x32x128xf32, #tpu.memory_space<hbm>> -> memref<8x32x128xf32, #tpu.memory_space<hbm>>
    %dma_start3A_118 = arith.constant 0 : i32
    %dma_start3A_119 = arith.constant 0 : i32
    %dma_start3A_120 = tpu.memref_slice %arg3[%add3A_114, %dma_start3A_118, %dma_start3A_119] : memref<4096x32x128xf32, #tpu.memory_space<hbm>> -> memref<8x32x128xf32, #tpu.memory_space<hbm>>
    tpu.enqueue_dma source(%arg4 : memref<8x32x128xf32, #tpu.memory_space<vmem>>) target(%dma_start3A_120 : memref<8x32x128xf32, #tpu.memory_space<hbm>>) target_semaphore(%arg5 : memref<!tpu.dma_semaphore, #tpu.memory_space<semaphore_mem>>)
    %add3A_121 = arith.constant 112 : i32
    %add3A_122 = arith.addi %mul3A_9, %add3A_121 : i32
    %dma_start3A_123 = arith.constant 0 : i32
    %dma_start3A_124 = arith.constant 0 : i32
    %dma_start3A_125 = tpu.memref_slice %arg3[%add3A_122, %dma_start3A_123, %dma_start3A_124] : memref<4096x32x128xf32, #tpu.memory_space<hbm>> -> memref<8x32x128xf32, #tpu.memory_space<hbm>>
    %dma_start3A_126 = arith.constant 0 : i32
    %dma_start3A_127 = arith.constant 0 : i32
    %dma_start3A_128 = tpu.memref_slice %arg3[%add3A_122, %dma_start3A_126, %dma_start3A_127] : memref<4096x32x128xf32, #tpu.memory_space<hbm>> -> memref<8x32x128xf32, #tpu.memory_space<hbm>>
    tpu.enqueue_dma source(%arg4 : memref<8x32x128xf32, #tpu.memory_space<vmem>>) target(%dma_start3A_128 : memref<8x32x128xf32, #tpu.memory_space<hbm>>) target_semaphore(%arg5 : memref<!tpu.dma_semaphore, #tpu.memory_space<semaphore_mem>>)
    %add3A_129 = arith.constant 120 : i32
    %add3A_130 = arith.addi %mul3A_9, %add3A_129 : i32
    %dma_start3A_131 = arith.constant 0 : i32
    %dma_start3A_132 = arith.constant 0 : i32
    %dma_start3A_133 = tpu.memref_slice %arg3[%add3A_130, %dma_start3A_131, %dma_start3A_132] : memref<4096x32x128xf32, #tpu.memory_space<hbm>> -> memref<8x32x128xf32, #tpu.memory_space<hbm>>
    %dma_start3A_134 = arith.constant 0 : i32
    %dma_start3A_135 = arith.constant 0 : i32
    %dma_start3A_136 = tpu.memref_slice %arg3[%add3A_130, %dma_start3A_134, %dma_start3A_135] : memref<4096x32x128xf32, #tpu.memory_space<hbm>> -> memref<8x32x128xf32, #tpu.memory_space<hbm>>
    tpu.enqueue_dma source(%arg4 : memref<8x32x128xf32, #tpu.memory_space<vmem>>) target(%dma_start3A_136 : memref<8x32x128xf32, #tpu.memory_space<hbm>>) target_semaphore(%arg5 : memref<!tpu.dma_semaphore, #tpu.memory_space<semaphore_mem>>)
    %dma_wait3A = arith.constant 0 : i32
    %dma_wait3A_137 = arith.constant 0 : i32
    %dma_wait3A_138 = tpu.memref_slice %arg3[%add3A_11, %dma_wait3A, %dma_wait3A_137] : memref<4096x32x128xf32, #tpu.memory_space<hbm>> -> memref<8x32x128xf32, #tpu.memory_space<hbm>>
    %dma_wait3A_139 = arith.constant 0 : i32
    %dma_wait3A_140 = arith.constant 0 : i32
    %dma_wait3A_141 = tpu.memref_slice %arg3[%add3A_11, %dma_wait3A_139, %dma_wait3A_140] : memref<4096x32x128xf32, #tpu.memory_space<hbm>> -> memref<8x32x128xf32, #tpu.memory_space<hbm>>
    tpu.wait_dma2 semaphore(%arg5 : memref<!tpu.dma_semaphore, #tpu.memory_space<semaphore_mem>>) src(%arg4 : memref<8x32x128xf32, #tpu.memory_space<vmem>>) dst(%dma_wait3A_141 : memref<8x32x128xf32, #tpu.memory_space<hbm>>)
    %dma_wait3A_142 = arith.constant 0 : i32
    %dma_wait3A_143 = arith.constant 0 : i32
    %dma_wait3A_144 = tpu.memref_slice %arg3[%add3A_18, %dma_wait3A_142, %dma_wait3A_143] : memref<4096x32x128xf32, #tpu.memory_space<hbm>> -> memref<8x32x128xf32, #tpu.memory_space<hbm>>
    %dma_wait3A_145 = arith.constant 0 : i32
    %dma_wait3A_146 = arith.constant 0 : i32
    %dma_wait3A_147 = tpu.memref_slice %arg3[%add3A_18, %dma_wait3A_145, %dma_wait3A_146] : memref<4096x32x128xf32, #tpu.memory_space<hbm>> -> memref<8x32x128xf32, #tpu.memory_space<hbm>>
    tpu.wait_dma2 semaphore(%arg5 : memref<!tpu.dma_semaphore, #tpu.memory_space<semaphore_mem>>) src(%arg4 : memref<8x32x128xf32, #tpu.memory_space<vmem>>) dst(%dma_wait3A_147 : memref<8x32x128xf32, #tpu.memory_space<hbm>>)
    %dma_wait3A_148 = arith.constant 0 : i32
    %dma_wait3A_149 = arith.constant 0 : i32
    %dma_wait3A_150 = tpu.memref_slice %arg3[%add3A_26, %dma_wait3A_148, %dma_wait3A_149] : memref<4096x32x128xf32, #tpu.memory_space<hbm>> -> memref<8x32x128xf32, #tpu.memory_space<hbm>>
    %dma_wait3A_151 = arith.constant 0 : i32
    %dma_wait3A_152 = arith.constant 0 : i32
    %dma_wait3A_153 = tpu.memref_slice %arg3[%add3A_26, %dma_wait3A_151, %dma_wait3A_152] : memref<4096x32x128xf32, #tpu.memory_space<hbm>> -> memref<8x32x128xf32, #tpu.memory_space<hbm>>
    tpu.wait_dma2 semaphore(%arg5 : memref<!tpu.dma_semaphore, #tpu.memory_space<semaphore_mem>>) src(%arg4 : memref<8x32x128xf32, #tpu.memory_space<vmem>>) dst(%dma_wait3A_153 : memref<8x32x128xf32, #tpu.memory_space<hbm>>)
    %dma_wait3A_154 = arith.constant 0 : i32
    %dma_wait3A_155 = arith.constant 0 : i32
    %dma_wait3A_156 = tpu.memref_slice %arg3[%add3A_34, %dma_wait3A_154, %dma_wait3A_155] : memref<4096x32x128xf32, #tpu.memory_space<hbm>> -> memref<8x32x128xf32, #tpu.memory_space<hbm>>
    %dma_wait3A_157 = arith.constant 0 : i32
    %dma_wait3A_158 = arith.constant 0 : i32
    %dma_wait3A_159 = tpu.memref_slice %arg3[%add3A_34, %dma_wait3A_157, %dma_wait3A_158] : memref<4096x32x128xf32, #tpu.memory_space<hbm>> -> memref<8x32x128xf32, #tpu.memory_space<hbm>>
    tpu.wait_dma2 semaphore(%arg5 : memref<!tpu.dma_semaphore, #tpu.memory_space<semaphore_mem>>) src(%arg4 : memref<8x32x128xf32, #tpu.memory_space<vmem>>) dst(%dma_wait3A_159 : memref<8x32x128xf32, #tpu.memory_space<hbm>>)
    %dma_wait3A_160 = arith.constant 0 : i32
    %dma_wait3A_161 = arith.constant 0 : i32
    %dma_wait3A_162 = tpu.memref_slice %arg3[%add3A_42, %dma_wait3A_160, %dma_wait3A_161] : memref<4096x32x128xf32, #tpu.memory_space<hbm>> -> memref<8x32x128xf32, #tpu.memory_space<hbm>>
    %dma_wait3A_163 = arith.constant 0 : i32
    %dma_wait3A_164 = arith.constant 0 : i32
    %dma_wait3A_165 = tpu.memref_slice %arg3[%add3A_42, %dma_wait3A_163, %dma_wait3A_164] : memref<4096x32x128xf32, #tpu.memory_space<hbm>> -> memref<8x32x128xf32, #tpu.memory_space<hbm>>
    tpu.wait_dma2 semaphore(%arg5 : memref<!tpu.dma_semaphore, #tpu.memory_space<semaphore_mem>>) src(%arg4 : memref<8x32x128xf32, #tpu.memory_space<vmem>>) dst(%dma_wait3A_165 : memref<8x32x128xf32, #tpu.memory_space<hbm>>)
    %dma_wait3A_166 = arith.constant 0 : i32
    %dma_wait3A_167 = arith.constant 0 : i32
    %dma_wait3A_168 = tpu.memref_slice %arg3[%add3A_50, %dma_wait3A_166, %dma_wait3A_167] : memref<4096x32x128xf32, #tpu.memory_space<hbm>> -> memref<8x32x128xf32, #tpu.memory_space<hbm>>
    %dma_wait3A_169 = arith.constant 0 : i32
    %dma_wait3A_170 = arith.constant 0 : i32
    %dma_wait3A_171 = tpu.memref_slice %arg3[%add3A_50, %dma_wait3A_169, %dma_wait3A_170] : memref<4096x32x128xf32, #tpu.memory_space<hbm>> -> memref<8x32x128xf32, #tpu.memory_space<hbm>>
    tpu.wait_dma2 semaphore(%arg5 : memref<!tpu.dma_semaphore, #tpu.memory_space<semaphore_mem>>) src(%arg4 : memref<8x32x128xf32, #tpu.memory_space<vmem>>) dst(%dma_wait3A_171 : memref<8x32x128xf32, #tpu.memory_space<hbm>>)
    %dma_wait3A_172 = arith.constant 0 : i32
    %dma_wait3A_173 = arith.constant 0 : i32
    %dma_wait3A_174 = tpu.memref_slice %arg3[%add3A_58, %dma_wait3A_172, %dma_wait3A_173] : memref<4096x32x128xf32, #tpu.memory_space<hbm>> -> memref<8x32x128xf32, #tpu.memory_space<hbm>>
    %dma_wait3A_175 = arith.constant 0 : i32
    %dma_wait3A_176 = arith.constant 0 : i32
    %dma_wait3A_177 = tpu.memref_slice %arg3[%add3A_58, %dma_wait3A_175, %dma_wait3A_176] : memref<4096x32x128xf32, #tpu.memory_space<hbm>> -> memref<8x32x128xf32, #tpu.memory_space<hbm>>
    tpu.wait_dma2 semaphore(%arg5 : memref<!tpu.dma_semaphore, #tpu.memory_space<semaphore_mem>>) src(%arg4 : memref<8x32x128xf32, #tpu.memory_space<vmem>>) dst(%dma_wait3A_177 : memref<8x32x128xf32, #tpu.memory_space<hbm>>)
    %dma_wait3A_178 = arith.constant 0 : i32
    %dma_wait3A_179 = arith.constant 0 : i32
    %dma_wait3A_180 = tpu.memref_slice %arg3[%add3A_66, %dma_wait3A_178, %dma_wait3A_179] : memref<4096x32x128xf32, #tpu.memory_space<hbm>> -> memref<8x32x128xf32, #tpu.memory_space<hbm>>
    %dma_wait3A_181 = arith.constant 0 : i32
    %dma_wait3A_182 = arith.constant 0 : i32
    %dma_wait3A_183 = tpu.memref_slice %arg3[%add3A_66, %dma_wait3A_181, %dma_wait3A_182] : memref<4096x32x128xf32, #tpu.memory_space<hbm>> -> memref<8x32x128xf32, #tpu.memory_space<hbm>>
    tpu.wait_dma2 semaphore(%arg5 : memref<!tpu.dma_semaphore, #tpu.memory_space<semaphore_mem>>) src(%arg4 : memref<8x32x128xf32, #tpu.memory_space<vmem>>) dst(%dma_wait3A_183 : memref<8x32x128xf32, #tpu.memory_space<hbm>>)
    %dma_wait3A_184 = arith.constant 0 : i32
    %dma_wait3A_185 = arith.constant 0 : i32
    %dma_wait3A_186 = tpu.memref_slice %arg3[%add3A_74, %dma_wait3A_184, %dma_wait3A_185] : memref<4096x32x128xf32, #tpu.memory_space<hbm>> -> memref<8x32x128xf32, #tpu.memory_space<hbm>>
    %dma_wait3A_187 = arith.constant 0 : i32
    %dma_wait3A_188 = arith.constant 0 : i32
    %dma_wait3A_189 = tpu.memref_slice %arg3[%add3A_74, %dma_wait3A_187, %dma_wait3A_188] : memref<4096x32x128xf32, #tpu.memory_space<hbm>> -> memref<8x32x128xf32, #tpu.memory_space<hbm>>
    tpu.wait_dma2 semaphore(%arg5 : memref<!tpu.dma_semaphore, #tpu.memory_space<semaphore_mem>>) src(%arg4 : memref<8x32x128xf32, #tpu.memory_space<vmem>>) dst(%dma_wait3A_189 : memref<8x32x128xf32, #tpu.memory_space<hbm>>)
    %dma_wait3A_190 = arith.constant 0 : i32
    %dma_wait3A_191 = arith.constant 0 : i32
    %dma_wait3A_192 = tpu.memref_slice %arg3[%add3A_82, %dma_wait3A_190, %dma_wait3A_191] : memref<4096x32x128xf32, #tpu.memory_space<hbm>> -> memref<8x32x128xf32, #tpu.memory_space<hbm>>
    %dma_wait3A_193 = arith.constant 0 : i32
    %dma_wait3A_194 = arith.constant 0 : i32
    %dma_wait3A_195 = tpu.memref_slice %arg3[%add3A_82, %dma_wait3A_193, %dma_wait3A_194] : memref<4096x32x128xf32, #tpu.memory_space<hbm>> -> memref<8x32x128xf32, #tpu.memory_space<hbm>>
    tpu.wait_dma2 semaphore(%arg5 : memref<!tpu.dma_semaphore, #tpu.memory_space<semaphore_mem>>) src(%arg4 : memref<8x32x128xf32, #tpu.memory_space<vmem>>) dst(%dma_wait3A_195 : memref<8x32x128xf32, #tpu.memory_space<hbm>>)
    %dma_wait3A_196 = arith.constant 0 : i32
    %dma_wait3A_197 = arith.constant 0 : i32
    %dma_wait3A_198 = tpu.memref_slice %arg3[%add3A_90, %dma_wait3A_196, %dma_wait3A_197] : memref<4096x32x128xf32, #tpu.memory_space<hbm>> -> memref<8x32x128xf32, #tpu.memory_space<hbm>>
    %dma_wait3A_199 = arith.constant 0 : i32
    %dma_wait3A_200 = arith.constant 0 : i32
    %dma_wait3A_201 = tpu.memref_slice %arg3[%add3A_90, %dma_wait3A_199, %dma_wait3A_200] : memref<4096x32x128xf32, #tpu.memory_space<hbm>> -> memref<8x32x128xf32, #tpu.memory_space<hbm>>
    tpu.wait_dma2 semaphore(%arg5 : memref<!tpu.dma_semaphore, #tpu.memory_space<semaphore_mem>>) src(%arg4 : memref<8x32x128xf32, #tpu.memory_space<vmem>>) dst(%dma_wait3A_201 : memref<8x32x128xf32, #tpu.memory_space<hbm>>)
    %dma_wait3A_202 = arith.constant 0 : i32
    %dma_wait3A_203 = arith.constant 0 : i32
    %dma_wait3A_204 = tpu.memref_slice %arg3[%add3A_98, %dma_wait3A_202, %dma_wait3A_203] : memref<4096x32x128xf32, #tpu.memory_space<hbm>> -> memref<8x32x128xf32, #tpu.memory_space<hbm>>
    %dma_wait3A_205 = arith.constant 0 : i32
    %dma_wait3A_206 = arith.constant 0 : i32
    %dma_wait3A_207 = tpu.memref_slice %arg3[%add3A_98, %dma_wait3A_205, %dma_wait3A_206] : memref<4096x32x128xf32, #tpu.memory_space<hbm>> -> memref<8x32x128xf32, #tpu.memory_space<hbm>>
    tpu.wait_dma2 semaphore(%arg5 : memref<!tpu.dma_semaphore, #tpu.memory_space<semaphore_mem>>) src(%arg4 : memref<8x32x128xf32, #tpu.memory_space<vmem>>) dst(%dma_wait3A_207 : memref<8x32x128xf32, #tpu.memory_space<hbm>>)
    %dma_wait3A_208 = arith.constant 0 : i32
    %dma_wait3A_209 = arith.constant 0 : i32
    %dma_wait3A_210 = tpu.memref_slice %arg3[%add3A_106, %dma_wait3A_208, %dma_wait3A_209] : memref<4096x32x128xf32, #tpu.memory_space<hbm>> -> memref<8x32x128xf32, #tpu.memory_space<hbm>>
    %dma_wait3A_211 = arith.constant 0 : i32
    %dma_wait3A_212 = arith.constant 0 : i32
    %dma_wait3A_213 = tpu.memref_slice %arg3[%add3A_106, %dma_wait3A_211, %dma_wait3A_212] : memref<4096x32x128xf32, #tpu.memory_space<hbm>> -> memref<8x32x128xf32, #tpu.memory_space<hbm>>
    tpu.wait_dma2 semaphore(%arg5 : memref<!tpu.dma_semaphore, #tpu.memory_space<semaphore_mem>>) src(%arg4 : memref<8x32x128xf32, #tpu.memory_space<vmem>>) dst(%dma_wait3A_213 : memref<8x32x128xf32, #tpu.memory_space<hbm>>)
    %dma_wait3A_214 = arith.constant 0 : i32
    %dma_wait3A_215 = arith.constant 0 : i32
    %dma_wait3A_216 = tpu.memref_slice %arg3[%add3A_114, %dma_wait3A_214, %dma_wait3A_215] : memref<4096x32x128xf32, #tpu.memory_space<hbm>> -> memref<8x32x128xf32, #tpu.memory_space<hbm>>
    %dma_wait3A_217 = arith.constant 0 : i32
    %dma_wait3A_218 = arith.constant 0 : i32
    %dma_wait3A_219 = tpu.memref_slice %arg3[%add3A_114, %dma_wait3A_217, %dma_wait3A_218] : memref<4096x32x128xf32, #tpu.memory_space<hbm>> -> memref<8x32x128xf32, #tpu.memory_space<hbm>>
    tpu.wait_dma2 semaphore(%arg5 : memref<!tpu.dma_semaphore, #tpu.memory_space<semaphore_mem>>) src(%arg4 : memref<8x32x128xf32, #tpu.memory_space<vmem>>) dst(%dma_wait3A_219 : memref<8x32x128xf32, #tpu.memory_space<hbm>>)
    %dma_wait3A_220 = arith.constant 0 : i32
    %dma_wait3A_221 = arith.constant 0 : i32
    %dma_wait3A_222 = tpu.memref_slice %arg3[%add3A_122, %dma_wait3A_220, %dma_wait3A_221] : memref<4096x32x128xf32, #tpu.memory_space<hbm>> -> memref<8x32x128xf32, #tpu.memory_space<hbm>>
    %dma_wait3A_223 = arith.constant 0 : i32
    %dma_wait3A_224 = arith.constant 0 : i32
    %dma_wait3A_225 = tpu.memref_slice %arg3[%add3A_122, %dma_wait3A_223, %dma_wait3A_224] : memref<4096x32x128xf32, #tpu.memory_space<hbm>> -> memref<8x32x128xf32, #tpu.memory_space<hbm>>
    tpu.wait_dma2 semaphore(%arg5 : memref<!tpu.dma_semaphore, #tpu.memory_space<semaphore_mem>>) src(%arg4 : memref<8x32x128xf32, #tpu.memory_space<vmem>>) dst(%dma_wait3A_225 : memref<8x32x128xf32, #tpu.memory_space<hbm>>)
    %dma_wait3A_226 = arith.constant 0 : i32
    %dma_wait3A_227 = arith.constant 0 : i32
    %dma_wait3A_228 = tpu.memref_slice %arg3[%add3A_130, %dma_wait3A_226, %dma_wait3A_227] : memref<4096x32x128xf32, #tpu.memory_space<hbm>> -> memref<8x32x128xf32, #tpu.memory_space<hbm>>
    %dma_wait3A_229 = arith.constant 0 : i32
    %dma_wait3A_230 = arith.constant 0 : i32
    %dma_wait3A_231 = tpu.memref_slice %arg3[%add3A_130, %dma_wait3A_229, %dma_wait3A_230] : memref<4096x32x128xf32, #tpu.memory_space<hbm>> -> memref<8x32x128xf32, #tpu.memory_space<hbm>>
    tpu.wait_dma2 semaphore(%arg5 : memref<!tpu.dma_semaphore, #tpu.memory_space<semaphore_mem>>) src(%arg4 : memref<8x32x128xf32, #tpu.memory_space<vmem>>) dst(%dma_wait3A_231 : memref<8x32x128xf32, #tpu.memory_space<hbm>>)
    return
  }
}

module attributes {stable_mosaic.version = 14 : i64} {
  func.func @_tc_body(%arg0: i32, %arg1: memref<1x32x4096xf32, #tpu.memory_space<vmem>>, %arg2: memref<128x32xf32, #tpu.memory_space<vmem>>, %arg3: memref<32x128xf32, #tpu.memory_space<vmem>>, %arg4: memref<1x32x4096xf32, #tpu.memory_space<vmem>>, %arg5: memref<1x32x4096xf32, #tpu.memory_space<vmem>>) attributes {dimension_semantics = [#tpu.dimension_semantics<arbitrary>], iteration_bounds = array<i64: 8>, scalar_prefetch = 0 : i64, scratch_operands = 0 : i64, tpu.core_type = #tpu.core_type<tc>, window_params = [{transform_indices = @transform_0, window_bounds = array<i64: 1, 32, 4096>}, {pipeline_mode = #tpu.pipeline_mode<synchronous>, transform_indices = @transform_1, window_bounds = array<i64: 128, 32>}, {pipeline_mode = #tpu.pipeline_mode<synchronous>, transform_indices = @transform_2, window_bounds = array<i64: 32, 128>}, {transform_indices = @transform_3, window_bounds = array<i64: 1, 32, 4096>}, {transform_indices = @transform_4, window_bounds = array<i64: 1, 32, 4096>}]} {
    %get3A = arith.constant 0 : index
    %get3A_0 = arith.constant 0 : index
    %get3A_1 = arith.constant 0 : index
    %get3A_2 = vector.load %arg1[%get3A, %get3A_0, %get3A_1] : memref<1x32x4096xf32, #tpu.memory_space<vmem>>, vector<1x32x4096xf32>
    %get3A_3 = vector.shape_cast %get3A_2 : vector<1x32x4096xf32> to vector<32x4096xf32>
    %get3A_4 = arith.constant 0 : index
    %get3A_5 = arith.constant 0 : index
    %get3A_6 = vector.load %arg2[%get3A_4, %get3A_5] : memref<128x32xf32, #tpu.memory_space<vmem>>, vector<128x32xf32>
    %get3A_7 = arith.constant 0 : index
    %get3A_8 = arith.constant 0 : index
    %get3A_9 = vector.load %arg3[%get3A_7, %get3A_8] : memref<32x128xf32, #tpu.memory_space<vmem>>, vector<32x128xf32>
    %dot_general3A = arith.constant dense<0.000000e+00> : vector<128x4096xf32>
    %dot_general3A_10 = tpu.matmul %get3A_6, %get3A_3, %dot_general3A {dimension_numbers = #tpu.dot_dimension_numbers<[1], [0], [0], [1], [0, 0, 1, 1], [], []>, transpose_lhs_hint = false} : vector<128x32xf32>, vector<32x4096xf32>, vector<128x4096xf32> -> vector<128x4096xf32>
    %mul3A = arith.mulf %get3A_3, %get3A_3 : vector<32x4096xf32>
    %reduce_sum3A = arith.constant dense<0.000000e+00> : vector<4096xf32>
    %reduce_sum3A_11 = vector.multi_reduction <add>, %mul3A, %reduce_sum3A [0] : vector<32x4096xf32> to vector<4096xf32>
    %broadcast_in_dim3A = vector.shape_cast %reduce_sum3A_11 : vector<4096xf32> to vector<1x4096xf32>
    %mul3A_12 = arith.mulf %get3A_6, %get3A_6 : vector<128x32xf32>
    %reduce_sum3A_13 = arith.constant dense<0.000000e+00> : vector<128xf32>
    %reduce_sum3A_14 = vector.multi_reduction <add>, %mul3A_12, %reduce_sum3A_13 [1] : vector<128x32xf32> to vector<128xf32>
    %broadcast_in_dim3A_15 = vector.shape_cast %reduce_sum3A_14 : vector<128xf32> to vector<128x1xf32>
    %add3A = vector.broadcast %broadcast_in_dim3A : vector<1x4096xf32> to vector<128x4096xf32>
    %add3A_16 = vector.broadcast %broadcast_in_dim3A_15 : vector<128x1xf32> to vector<128x4096xf32>
    %add3A_17 = arith.addf %add3A, %add3A_16 : vector<128x4096xf32>
    %mul3A_18 = arith.constant 2.000000e+00 : f32
    %mul3A_19 = vector.broadcast %mul3A_18 : f32 to vector<128x4096xf32>
    %mul3A_20 = arith.mulf %mul3A_19, %dot_general3A_10 : vector<128x4096xf32>
    %sub3A = arith.subf %add3A_17, %mul3A_20 : vector<128x4096xf32>
    %reduce_min3A = arith.constant dense<0x7F800000> : vector<4096xf32>
    %reduce_min3A_21 = vector.multi_reduction <minimumf>, %sub3A, %reduce_min3A [0] : vector<128x4096xf32> to vector<4096xf32>
    %broadcast_in_dim3A_22 = vector.shape_cast %reduce_min3A_21 : vector<4096xf32> to vector<1x4096xf32>
    %iota3A = tpu.iota {dimensions = array<i32: 0>} : vector<128x4096xi32>
    %eq3A = vector.broadcast %broadcast_in_dim3A_22 : vector<1x4096xf32> to vector<128x4096xf32>
    %eq3A_23 = arith.cmpf oeq, %sub3A, %eq3A : vector<128x4096xf32>
    %jit3A = arith.constant 128 : i32
    %broadcast_in_dim3A_24 = vector.broadcast %jit3A : i32 to vector<128x4096xi32>
    %select_n3A = arith.select %eq3A_23, %iota3A, %broadcast_in_dim3A_24 : vector<128x4096xi1>, vector<128x4096xi32>
    %reduce_min3A_25 = arith.constant dense<2147483647> : vector<4096xi32>
    %reduce_min3A_26 = vector.multi_reduction <minsi>, %select_n3A, %reduce_min3A_25 [0] : vector<128x4096xi32> to vector<4096xi32>
    %broadcast_in_dim3A_27 = vector.shape_cast %reduce_min3A_26 : vector<4096xi32> to vector<1x4096xi32>
    %eq3A_28 = vector.broadcast %broadcast_in_dim3A_27 : vector<1x4096xi32> to vector<128x4096xi32>
    %eq3A_29 = arith.cmpi eq, %iota3A, %eq3A_28 : vector<128x4096xi32>
    %convert_element_type3A = arith.extui %eq3A_29 : vector<128x4096xi1> to vector<128x4096xi32>
    %convert_element_type3A_30 = arith.sitofp %convert_element_type3A : vector<128x4096xi32> to vector<128x4096xf32>
    %dot_general3A_31 = arith.constant dense<0.000000e+00> : vector<32x4096xf32>
    %dot_general3A_32 = tpu.matmul %get3A_9, %convert_element_type3A_30, %dot_general3A_31 {dimension_numbers = #tpu.dot_dimension_numbers<[1], [0], [0], [1], [0, 0, 1, 1], [], []>, transpose_lhs_hint = false} : vector<32x128xf32>, vector<128x4096xf32>, vector<32x4096xf32> -> vector<32x4096xf32>
    %swap3A = arith.constant 0 : index
    %swap3A_33 = arith.constant 0 : index
    %swap3A_34 = arith.constant 0 : index
    %swap3A_35 = vector.load %arg4[%swap3A, %swap3A_33, %swap3A_34] : memref<1x32x4096xf32, #tpu.memory_space<vmem>>, vector<1x32x4096xf32>
    %swap3A_36 = vector.shape_cast %swap3A_35 : vector<1x32x4096xf32> to vector<32x4096xf32>
    %swap3A_37 = vector.shape_cast %dot_general3A_32 : vector<32x4096xf32> to vector<1x32x4096xf32>
    tpu.vector_store %arg4[%swap3A, %swap3A_33, %swap3A_34], %swap3A_37 {strides = array<i32>} : memref<1x32x4096xf32, #tpu.memory_space<vmem>>, vector<1x32x4096xf32>,
    %swap3A_38 = arith.constant 0 : index
    %swap3A_39 = arith.constant 0 : index
    %swap3A_40 = arith.constant 0 : index
    %swap3A_41 = vector.load %arg5[%swap3A_38, %swap3A_39, %swap3A_40] : memref<1x32x4096xf32, #tpu.memory_space<vmem>>, vector<1x32x4096xf32>
    %swap3A_42 = vector.shape_cast %swap3A_41 : vector<1x32x4096xf32> to vector<32x4096xf32>
    %swap3A_43 = vector.shape_cast %dot_general3A_32 : vector<32x4096xf32> to vector<1x32x4096xf32>
    tpu.vector_store %arg5[%swap3A_38, %swap3A_39, %swap3A_40], %swap3A_43 {strides = array<i32>} : memref<1x32x4096xf32, #tpu.memory_space<vmem>>, vector<1x32x4096xf32>,
    return
  }
  func.func @transform_0(%arg0: i32) -> (i32, i32, i32) {
    %c0_i32 = arith.constant 0 : i32
    %c0_i32_0 = arith.constant 0 : i32
    %c0_i32_1 = arith.constant 0 : i32
    return %arg0, %c0_i32, %c0_i32_0 : i32, i32, i32
  }
  func.func @transform_1(%arg0: i32) -> (i32, i32) {
    %c0_i32 = arith.constant 0 : i32
    %c0_i32_0 = arith.constant 0 : i32
    %c0_i32_1 = arith.constant 0 : i32
    return %c0_i32, %c0_i32_0 : i32, i32
  }
  func.func @transform_2(%arg0: i32) -> (i32, i32) {
    %c0_i32 = arith.constant 0 : i32
    %c0_i32_0 = arith.constant 0 : i32
    %c0_i32_1 = arith.constant 0 : i32
    return %c0_i32, %c0_i32_0 : i32, i32
  }
  func.func @transform_3(%arg0: i32) -> (i32, i32, i32) {
    %c0_i32 = arith.constant 0 : i32
    %c0_i32_0 = arith.constant 0 : i32
    %c0_i32_1 = arith.constant 0 : i32
    return %arg0, %c0_i32, %c0_i32_0 : i32, i32, i32
  }
  func.func @transform_4(%arg0: i32) -> (i32, i32, i32) {
    %c0_i32 = arith.constant 0 : i32
    %c0_i32_0 = arith.constant 0 : i32
    %c0_i32_1 = arith.constant 0 : i32
    return %arg0, %c0_i32, %c0_i32_0 : i32, i32, i32
  }
}

</mosaic_0001>

<sc_bundles>
// kernel: kernel.4.cloned.1.call-start
scs
__scs_entry_jumppad:
0x0: {  	(pc) =	sbr.rel $0x88, $3  }
0x1: {  	(tag) =	ssettag $0x0;
	lr =	simm.s32 $0x1  }
0x2: {  	[smem:$0x3F9F] =	sst lr;
	_ =	strace $0xD0000000  }
0x3: {  	_ = 	snop  }
0x4: {  	_ = 	snop  }
0x5: {  	_ = 	snop  }
0x6: {  	_ = 	snop  }
0x7: {  	_ = 	snop  }
__scs_overlays_trampoline_lowered:
0x8: {  	[smem:$0x3FAE] =	sst s0  }
0x9: {  	[smem:$0x3FAF] =	sst s1  }
0xa: {  	[smem:$0x3FB0] =	sst s2  }
0xb: {  	[smem:$0x3FB1] =	sst s3  }
0xc: {  	[smem:$0x3FB2] =	sst s4  }
0xd: {  	[smem:$0x3FB3] =	sst s5  }
0xe: {  	[smem:$0x3FB4] =	sst s6  }
0xf: {  	[smem:$0x3FB5] =	sst s7  }
0x10: {  	[smem:$0x3FB6] =	sst s8  }
0x11: {  	[smem:$0x3FB7] =	sst s9;
	s0 =	simm.s32 @!p0 $0x0  }
0x12: {  	s1 =	sld [smem:$0x3F9D];
	s0 =	simm.s32 @p0 $0x1  }
0x13: {  	[smem:$0x3FB8] =	sst s0;
	s0 =	simm.s32 @!p1 $0x0  }
0x14: {  	s2 =	sld [smem:$0x3F9C];
	s0 =	simm.s32 @p1 $0x1  }
0x15: {  	[smem:$0x3FB9] =	sst s0;
	s0 =	simm.s32 @!p2 $0x0  }
0x16: {  	s3 =	sld [smem:$0x3FDB];
	s0 =	simm.s32 @p2 $0x1  }
0x17: {  	s4 =	simm.s32 $0x1BF5;
	[smem:$0x3FBB] =	sst s0  }
0x18: {  	s0 =	sld [smem:$0x3F9E];
	_ =	swait.ge [sflag:s4], $0x0  }
0x19: {  	s7 =	sld [smem:$0x3F9F]  }
0x1a: {  	s8 =	sadd.s32 $0xFFFFE003, lr  }
0x1b: {  	s9 =	sadd.s32 $0xFFFFFEF7, lr;
	s5 =	simm.s32 $0xFFFFFFFF;
	p2 =	slt.u32 s8, $0xFFFFF086  }
0x1c: {  	p1 =	slt.u32 s9, $0xF7A;
	s5 =	simm.s32 @!p2 $0x0  }
0x1d: {  	s5 =	simm.s32 @p1 $0x1;
	p0 =	seq.s32 s7, s2  }
0x1e: {  	s7 =	smul.u32 @!p0 $0xF7A, s2;
	p2 =	seq.s32 @!p0 s5, $0x0  }
0x1f: {  	s9 =	smul.u32 $0xF7A, s1;
	s8 =	simm.s32 @!p0 $0x1BF5;
	p2 =	por !p2, p0  }
0x20: {  	[sflag:s8] =	ssyncset.s32 @!p0 $0xFFFFF086;
	s6 =	sadd.s32 @!p0 s3, s7;
	s7 =	simm.s32 @!p0 $0x108  }
0x21: {  	s3 =	sadd.s32 s3, s9;
	s6 =	sadd.s32 @!p0 $0x88, s6;
	s7 =	simm.s32 @p2 $0x1082  }
0x22: {  	[simem:s7], [sflag:s8] =	dma.local @!p0 [hbm:s6], $0xF7A  }
0x23: {  	s9 =	sor.u32 $0xD0000000, s2;
	s6 =	simm.s32 $0x108;
	_ =	swait.ge @!p0 [sflag:s8], $0x0  }
0x24: {  	s3 =	sadd.s32 $0x88, s3;
	s6 =	simm.s32 @!p1 $0x1082;
	[sflag:s4] =	ssyncset.s32 $0xFFFFF086  }
0x25: {  	[simem:s6], [sflag:s4] =	dma.local [hbm:s3], $0xF7A  }
0x26: {  	[smem:$0x3F9F] =	sst s1;
	(tag) =	ssettag s2;
	_ =	strace s9  }
0x27: {  	s1 =	sld [smem:$0x3FAF]  }
0x28: {  	s2 =	sld [smem:$0x3FB0]  }
0x29: {  	s4 =	sld [smem:$0x3FB2]  }
0x2a: {  	p0 =	seq.s32 s5, $0x0;
	s5 =	sld [smem:$0x3FB3]  }
0x2b: {  	s6 =	sld [smem:$0x3FB4]  }
0x2c: {  	s7 =	sld [smem:$0x3FB5]  }
0x2d: {  	s3 =	simm.s32 $0x108;
	s8 =	sld [smem:$0x3FB6]  }
0x2e: {  	s3 =	simm.s32 @!p0 $0x1082;
	s9 =	sld [smem:$0x3FB7]  }
0x2f: {  	lr =	sadd.s32 s0, s3;
	s0 =	sld [smem:$0x3FAE]  }
0x30: {  	s3 =	sld [smem:$0x3FB1]  }
0x31: {  	[smem:$0x3FBA] =	sst s10  }
0x32: {  	s10 =	sld [smem:$0x3FB8];
	_ =	sdelay $0x3  }
0x33: {  	p0 =	seq.s32 s10, $0x1;
	s10 =	sld [smem:$0x3FBA];
	_ =	sdelay $0x3  }
0x34: {  	[smem:$0x3FBA] =	sst s10  }
0x35: {  	s10 =	sld [smem:$0x3FB9];
	_ =	sdelay $0x3  }
0x36: {  	p1 =	seq.s32 s10, $0x1;
	s10 =	sld [smem:$0x3FBA];
	_ =	sdelay $0x3  }
0x37: {  	[smem:$0x3FBA] =	sst s10  }
0x38: {  	s10 =	sld [smem:$0x3FBB]  }
0x39: {  	_ = 	snop;
	(pc) =	sbr.ind lr, $3  }
0x3a: {  	_ = 	snop  }
0x3b: {  	_ = 	snop  }
0x3c: {  	p2 =	seq.s32 s10, $0x1;
	s10 =	sld [smem:$0x3FBA]  }
0x3d: {  	_ =	shalt  }
0x3e: {  	_ =	shalt  }
0x3f: {  	_ =	shalt  }
0x40: {  	_ =	shalt  }
0x41: {  	_ =	shalt  }
0x42: {  	_ =	shalt  }
0x43: {  	_ =	shalt  }
0x44: {  	_ =	shalt  }
0x45: {  	_ =	shalt  }
0x46: {  	_ =	shalt  }
0x47: {  	_ =	shalt  }
0x48: {  	_ =	shalt  }
0x49: {  	_ =	shalt  }
0x4a: {  	_ =	shalt  }
0x4b: {  	_ =	shalt  }
0x4c: {  	_ =	shalt  }
0x4d: {  	_ =	shalt  }
0x4e: {  	_ =	shalt  }
0x4f: {  	_ =	shalt  }
0x50: {  	_ =	shalt  }
0x51: {  	_ =	shalt  }
0x52: {  	_ =	shalt  }
0x53: {  	_ =	shalt  }
0x54: {  	_ =	shalt  }
0x55: {  	_ =	shalt  }
0x56: {  	_ =	shalt  }
0x57: {  	_ =	shalt  }
0x58: {  	_ =	shalt  }
0x59: {  	_ =	shalt  }
0x5a: {  	_ =	shalt  }
0x5b: {  	_ =	shalt  }
0x5c: {  	_ =	shalt  }
0x5d: {  	_ =	shalt  }
0x5e: {  	_ =	shalt  }
0x5f: {  	_ =	shalt  }
0x60: {  	_ =	shalt  }
0x61: {  	_ =	shalt  }
0x62: {  	_ =	shalt  }
0x63: {  	_ =	shalt  }
0x64: {  	_ =	shalt  }
0x65: {  	_ =	shalt  }
0x66: {  	_ =	shalt  }
0x67: {  	_ =	shalt  }
0x68: {  	_ =	shalt  }
0x69: {  	_ =	shalt  }
0x6a: {  	_ =	shalt  }
0x6b: {  	_ =	shalt  }
0x6c: {  	_ =	shalt  }
0x6d: {  	_ =	shalt  }
0x6e: {  	_ =	shalt  }
0x6f: {  	_ =	shalt  }
0x70: {  	_ =	shalt  }
0x71: {  	_ =	shalt  }
0x72: {  	_ =	shalt  }
0x73: {  	_ =	shalt  }
0x74: {  	_ =	shalt  }
0x75: {  	_ =	shalt  }
0x76: {  	_ =	shalt  }
0x77: {  	_ =	shalt  }
0x78: {  	_ =	shalt  }
0x79: {  	_ =	shalt  }
0x7a: {  	_ =	shalt  }
0x7b: {  	_ =	shalt  }
0x7c: {  	_ =	shalt  }
0x7d: {  	_ =	shalt  }
0x7e: {  	_ =	shalt  }
0x7f: {  	_ =	shalt  }
0x80: {  	_ =	shalt  }
0x81: {  	_ =	shalt  }
0x82: {  	_ =	shalt  }
0x83: {  	_ =	shalt  }
0x84: {  	_ =	shalt  }
0x85: {  	_ =	shalt  }
0x86: {  	_ =	shalt  }
0x87: {  	_ =	shalt  }
.Lfunc_end0:
.L_simem_size_0:
called_computation_lowered:
.L_overlay_start_0:
0x88: {  	s2 =	sld [smem:$0x3FD9]  }
0x89: {  	s3 =	sld [smem:$0x3FFE];
	_ =	sdelay $0x1  }
0x8a: {  	s1 =	srdreg.scid  }
0x8b: {  	s0 =	sand.u32 $0x1, s1  }
0x8c: {  	s15 =	sshll.u32 s0, $0xA;
	s2 =	sadd.s32 s3, s2  }
0x8d: {  	s2 =	sadd.s32 s2, s15  }
0x8e: {  	[smem:$0x3FC6] =	sst s2  }
0x8f: {  	_ = 	snop  }
0x90: {  	s2 =	sld [smem:$0x3FD0];
	_ =	sdelay $0x2  }
0x91: {  	s4 =	simm.s32 $0xA;
	s5 =	simm.s32 $0x10;
	s16 =	sld [smem:$0x3FC8]  }
0x92: {  	[smem:s5], [sflag:s4] =	dma.local [hbm:s2], $0x1  }
0x93: {  	_ =	swait.eq [sflag:s4], $0x1  }
0x94: {  	[sflag:s4] =	ssyncset.done $0x0  }
0x95: {  	[sflag:s4] =	ssyncadd.s32 $0xFFFFFFFF  }
0x96: {  	s17 =	sld [smem:$0x12];
	(tm) =	ssettm $0x1  }
0x97: {  	s18 =	sld [smem:$0x3FFB];
	_ =	sdelay $0x3  }
0x98: {  	_ =	strace s18  }
0x99: {  	s4 =	sld [smem:$0x3FFC];
	_ =	sdelay $0x3  }
0x9a: {  	_ =	strace s4  }
0x9b: {  	s4 =	sld [smem:$0x3FFD];
	_ =	sdelay $0x3  }
0x9c: {  	_ =	strace s4  }
0x9d: {  	_ =	strace $0x8FFFFFFF  }
0x9e: {  	s19 =	sld [smem:$0x3FDB];
	_ =	sdelay $0x1  }
0x9f: {  	s20 =	simm.s32 $_scs_section_size  }
0xa0: {  	s6 =	simm.s32 $_size__tile_overlayer_lowered;
	s7 =	simm.s32 $_tile_overlayer_lowered  }
0xa1: {  	s23 =	simm.s32 $0x1BFF;
	s22 =	sshll.u32 s7, $0x1;
	s4 =	sadd.s32 s20, s19  }
0xa2: {  	s8 =	simm.s32 $0x0;
	s21 =	sshll.u32 s6, $0x1;
	s6 =	sadd.s32 s22, s4  }
0xa3: {  	[timem:s8], [sflag:s23] =	dma.local [hbm:s6], s21  }
0xa4: {  	_ =	swait.ge [sflag:s23], s21  }
0xa5: {  	s5 =	ssub.s32 $0x0, s21;
	[sflag:s23] =	ssyncset.done $0x0  }
0xa6: {  	[sflag:s23] =	ssyncadd.s32 s5;
	_ =	sdelay $0x1  }
0xa7: {  	s24 =	simm.s32 $0x1B8B  }
0xa8: {  	_ =	swait.ge [sflag:s24], $0x1  }
0xa9: {  	[sflag:s24] =	ssyncset.done $0x0  }
0xaa: {  	s25 =	simm.s32 $0x1B8E;
	[sflag:s24] =	ssyncadd.s32 $0xFFFFFFFF  }
0xab: {  	s26 =	simm.s32 $execute0_lowered;
	[smem:$0x3FD2] =	sst s25  }
0xac: {  	s5 =	sshll.u32 s26, $0x1;
	_ =	strace $0x80000046;
	[dreg:$0x1] =	wrdreg $0xFFFFFFFF  }
0xad: {  	s28 =	simm.s32 $_size_execute0_lowered;
	s4 =	sadd.s32 s4, s5;
	[dreg:$0x0] =	wrdreg $0x0  }
0xae: {  	s5 =	sshll.u32 s28, $0x1;
	[dreg:$0x2] =	wrdreg s4  }
0xaf: {  	[dreg:$0x3] =	wrdreg s5  }
0xb0: {  	[dreg:$0x4] =	wrdreg $0xC0  }
0xb1: {  	_ =	task [dreg:s8], $0x5FFFF  }
0xb2: {  	[dreg:$0x1] =	wrdreg $0xFFFFFFFF  }
0xb3: {  	[dreg:$0x0] =	wrdreg $0x60  }
0xb4: {  	[dreg:$0x2] =	wrdreg s16  }
0xb5: {  	[dreg:$0x3] =	wrdreg s17  }
0xb6: {  	[dreg:$0x4] =	wrdreg $0x9  }
0xb7: {  	_ =	task.clear_ibuf [dreg:s8], $0x5FFFF;
	_ =	strace $0x90000046  }
0xb8: {  	s29 =	simm.s32 $0x9;
	_ =	strace $0x80000048  }
0xb9: {  	_ =	swait.ge [sflag:s29], $0x1  }
0xba: {  	[sflag:s29] =	ssyncadd.s32 $0xFFFFFFFF  }
0xbb: {  	_ =	strace $0x90000048  }
0xbc: {  	_ =	sfence  }
0xbd: {  	s30 =	sld [smem:$0x0];
	_ =	sdelay $0x2  }
0xbe: {  	s31 =	sshll.u32 s1, $0xD;
	s1 =	sshrl.u32 s1, $0x2  }
0xbf: {  	s3 =	sand.u32 $0x4000, s31;
	s1 =	sadd.s32 s1, s30  }
0xc0: {  	s0 =	sor.u32 s3, s0;
	s1 =	sshll.u32 s1, $0x11  }
0xc1: {  	s0 =	sor.u32 s1, s0  }
0xc2: {  	s0 =	sadd.s32 $0x8F2B, s0  }
0xc3: {  	[sflag:s0] =	ssyncadd.remote.s32 $0x1  }
0xc4: {  	_ =	sfence.sel $0xFFFF  }
0xc5: {  	[dreg:$0x0] =	wrdreg $0xFFFFFFFF;
	(pc) =	sbr.abs _section_cstart, $3  }
0xc6: {  	[dreg:$0x1] =	wrdreg $0xFFFFFFFF  }
0xc7: {  	_ =	task.clear_ibuf [dreg:s8], $0x2FFFF;
	_ =	strace $0x9FFFFFFF  }
0xc8: {  	(tm) =	ssettm $0x7FFFFFFF  }
0xc9: {  	_ =	shalt  }
tec
execute0_lowered:
.L_overlay_start_1:
0x0: {  	(tag) =	ssettag $0x1  }
0x1: {  	s1 =	rddreg [dreg:$0x0]  }
0x2: {  	s12 =	rddreg [dreg:$0x1];
	s2 =	simm.s32 $0x0  }
0x3: {  	[smem:$0x7FF] =	sst s2  }
0x4: {  	s0 =	rddreg [dreg:$0x2];
	s3 =	simm.s32 $0x2;
	_ =	strace $0x80000047  }
0x5: {  	[tilespmem:s2], [sflag:$0x2] =	stream.linear.gather [hbm4b:s1+s2], $0x1000, $0x38;
	[tilespmem:$0x8000] =	vst v63  }
0x6: {  	_ =	swait.ge [sflag:s3], $0x1000  }
0x7: {  	[sflag:s3] =	ssyncset.done $0x0  }
0x8: {  	s4 =	simm.s32 $0x1000;
	[sflag:s3] =	ssyncadd.s32 $0xFFFFF000  }
0x9: {  	[tilespmem:s4], [sflag:$0x2] =	stream.linear.gather [hbm4b:s1+s2], $0x1000, $0x38;
	[tilespmem:$0x8000] =	vst v63  }
0xa: {  	_ =	swait.ge [sflag:s3], $0x1000  }
0xb: {  	[sflag:s3] =	ssyncset.done $0x0  }
0xc: {  	s5 =	simm.s32 $0x2000;
	[sflag:s3] =	ssyncadd.s32 $0xFFFFF000  }
0xd: {  	[tilespmem:s5], [sflag:$0x2] =	stream.linear.gather [hbm4b:s1+s2], $0x1000, $0x38;
	[tilespmem:$0x8000] =	vst v63  }
0xe: {  	_ =	swait.ge [sflag:s3], $0x1000  }
0xf: {  	[sflag:s3] =	ssyncset.done $0x0  }
0x10: {  	s6 =	simm.s32 $0x3000;
	[sflag:s3] =	ssyncadd.s32 $0xFFFFF000  }
0x11: {  	[tilespmem:s6], [sflag:$0x2] =	stream.linear.gather [hbm4b:s1+s2], $0x1000, $0x38;
	[tilespmem:$0x8000] =	vst v63  }
0x12: {  	_ =	swait.ge [sflag:s3], $0x1000  }
0x13: {  	[sflag:s3] =	ssyncset.done $0x0  }
0x14: {  	s7 =	simm.s32 $0x4000;
	[sflag:s3] =	ssyncadd.s32 $0xFFFFF000  }
0x15: {  	[tilespmem:s7], [sflag:$0x2] =	stream.linear.gather [hbm4b:s1+s2], $0x1000, $0x38;
	[tilespmem:$0x8000] =	vst v63  }
0x16: {  	_ =	swait.ge [sflag:s3], $0x1000  }
0x17: {  	[sflag:s3] =	ssyncset.done $0x0  }
0x18: {  	s8 =	simm.s32 $0x5000;
	[sflag:s3] =	ssyncadd.s32 $0xFFFFF000  }
0x19: {  	[tilespmem:s8], [sflag:$0x2] =	stream.linear.gather [hbm4b:s1+s2], $0x1000, $0x38;
	[tilespmem:$0x8000] =	vst v63  }
0x1a: {  	_ =	swait.ge [sflag:s3], $0x1000  }
0x1b: {  	[sflag:s3] =	ssyncset.done $0x0  }
0x1c: {  	s10 =	simm.s32 $0x6000;
	[sflag:s3] =	ssyncadd.s32 $0xFFFFF000  }
0x1d: {  	[tilespmem:s10], [sflag:$0x2] =	stream.linear.gather [hbm4b:s1+s2], $0x1000, $0x38;
	[tilespmem:$0x8000] =	vst v63  }
0x1e: {  	_ =	swait.ge [sflag:s3], $0x1000  }
0x1f: {  	s11 =	srdreg.scid;
	s9 =	stileid.u32;
	[sflag:s3] =	ssyncset.done $0x0  }
0x20: {  	s30 =	sand.u32 $0x1, s11;
	s11 =	simm.s32 $0x7000;
	[sflag:s3] =	ssyncadd.s32 $0xFFFFF000  }
0x21: {  	[tilespmem:s11], [sflag:$0x2] =	stream.linear.gather [hbm4b:s1+s2], $0x1000, $0x38;
	[tilespmem:$0x8000] =	vst v63  }
0x22: {  	s13 =	sshll.u32 s9, $0x11;
	s14 =	sshll.u32 s30, $0x10;
	_ =	swait.ge [sflag:s3], $0x1000  }
0x23: {  	s13 =	sor.u32 s14, s13;
	[sflag:s3] =	ssyncset.done $0x0  }
0x24: {  	s12 =	sadd.s32 s12, s13;
	[sflag:s3] =	ssyncadd.s32 $0xFFFFF000  }
0x25: {  	[hbm4b:s12+s2] =	stream.linear.scatter [tilespmem:s2], [sflag:$0x1], $0x8000, $0x38;
	[tilespmem:$0x8000] =	vst v63  }
0x26: {  	s13 =	sadd.s32 $0x1000, s12  }
0x27: {  	[hbm4b:s13+s2] =	stream.linear.scatter [tilespmem:s2], [sflag:$0x1], $0x8000, $0x38;
	[tilespmem:$0x8000] =	vst v63  }
0x28: {  	s14 =	sadd.s32 $0x2000, s12  }
0x29: {  	[hbm4b:s14+s2] =	stream.linear.scatter [tilespmem:s2], [sflag:$0x1], $0x8000, $0x38;
	[tilespmem:$0x8000] =	vst v63  }
0x2a: {  	s15 =	sadd.s32 $0x3000, s12  }
0x2b: {  	[hbm4b:s15+s2] =	stream.linear.scatter [tilespmem:s2], [sflag:$0x1], $0x8000, $0x38;
	[tilespmem:$0x8000] =	vst v63  }
0x2c: {  	s16 =	sadd.s32 $0x4000, s12  }
0x2d: {  	[hbm4b:s16+s2] =	stream.linear.scatter [tilespmem:s2], [sflag:$0x1], $0x8000, $0x38;
	[tilespmem:$0x8000] =	vst v63  }
0x2e: {  	s17 =	sadd.s32 $0x5000, s12  }
0x2f: {  	[hbm4b:s17+s2] =	stream.linear.scatter [tilespmem:s2], [sflag:$0x1], $0x8000, $0x38;
	[tilespmem:$0x8000] =	vst v63  }
0x30: {  	s18 =	sadd.s32 $0x6000, s12  }
0x31: {  	[hbm4b:s18+s2] =	stream.linear.scatter [tilespmem:s2], [sflag:$0x1], $0x8000, $0x38;
	[tilespmem:$0x8000] =	vst v63  }
0x32: {  	s19 =	sadd.s32 $0x7000, s12  }
0x33: {  	[hbm4b:s19+s2] =	stream.linear.scatter [tilespmem:s2], [sflag:$0x1], $0x8000, $0x38;
	[tilespmem:$0x8000] =	vst v63  }
0x34: {  	s20 =	sadd.s32 $0x8000, s12  }
0x35: {  	[hbm4b:s20+s2] =	stream.linear.scatter [tilespmem:s2], [sflag:$0x1], $0x8000, $0x38;
	[tilespmem:$0x8000] =	vst v63  }
0x36: {  	s21 =	sadd.s32 $0x9000, s12  }
0x37: {  	[hbm4b:s21+s2] =	stream.linear.scatter [tilespmem:s2], [sflag:$0x1], $0x8000, $0x38;
	[tilespmem:$0x8000] =	vst v63  }
0x38: {  	s22 =	sadd.s32 $0xA000, s12  }
0x39: {  	[hbm4b:s22+s2] =	stream.linear.scatter [tilespmem:s2], [sflag:$0x1], $0x8000, $0x38;
	[tilespmem:$0x8000] =	vst v63  }
0x3a: {  	s23 =	sadd.s32 $0xB000, s12  }
0x3b: {  	[hbm4b:s23+s2] =	stream.linear.scatter [tilespmem:s2], [sflag:$0x1], $0x8000, $0x38;
	[tilespmem:$0x8000] =	vst v63  }
0x3c: {  	s24 =	sadd.s32 $0xC000, s12  }
0x3d: {  	[hbm4b:s24+s2] =	stream.linear.scatter [tilespmem:s2], [sflag:$0x1], $0x8000, $0x38;
	[tilespmem:$0x8000] =	vst v63  }
0x3e: {  	s25 =	sadd.s32 $0xD000, s12  }
0x3f: {  	[hbm4b:s25+s2] =	stream.linear.scatter [tilespmem:s2], [sflag:$0x1], $0x8000, $0x38;
	[tilespmem:$0x8000] =	vst v63  }
0x40: {  	s26 =	sadd.s32 $0xE000, s12  }
0x41: {  	[hbm4b:s26+s2] =	stream.linear.scatter [tilespmem:s2], [sflag:$0x1], $0x8000, $0x38;
	[tilespmem:$0x8000] =	vst v63  }
0x42: {  	s29 =	simm.s32 $0x1;
	s28 =	sadd.s32 $0xF000, s12  }
0x43: {  	[hbm4b:s28+s2] =	stream.linear.scatter [tilespmem:s2], [sflag:$0x1], $0x8000, $0x38;
	[tilespmem:$0x8000] =	vst v63  }
0x44: {  	_ =	swait.ge [sflag:s29], $0x8000  }
0x45: {  	[sflag:s29] =	ssyncset.done $0x0  }
0x46: {  	[sflag:s29] =	ssyncadd.s32 $0xFFFF8000  }
0x47: {  	_ =	swait.ge [sflag:s29], $0x8000  }
0x48: {  	[sflag:s29] =	ssyncset.done $0x0  }
0x49: {  	[sflag:s29] =	ssyncadd.s32 $0xFFFF8000  }
0x4a: {  	_ =	swait.ge [sflag:s29], $0x8000  }
0x4b: {  	[sflag:s29] =	ssyncset.done $0x0  }
0x4c: {  	[sflag:s29] =	ssyncadd.s32 $0xFFFF8000  }
0x4d: {  	_ =	swait.ge [sflag:s29], $0x8000  }
0x4e: {  	[sflag:s29] =	ssyncset.done $0x0  }
0x4f: {  	[sflag:s29] =	ssyncadd.s32 $0xFFFF8000  }
0x50: {  	_ =	swait.ge [sflag:s29], $0x8000  }
0x51: {  	[sflag:s29] =	ssyncset.done $0x0  }
0x52: {  	[sflag:s29] =	ssyncadd.s32 $0xFFFF8000  }
0x53: {  	_ =	swait.ge [sflag:s29], $0x8000  }
0x54: {  	[sflag:s29] =	ssyncset.done $0x0  }
0x55: {  	[sflag:s29] =	ssyncadd.s32 $0xFFFF8000  }
0x56: {  	_ =	swait.ge [sflag:s29], $0x8000  }
0x57: {  	[sflag:s29] =	ssyncset.done $0x0  }
0x58: {  	[sflag:s29] =	ssyncadd.s32 $0xFFFF8000  }
0x59: {  	_ =	swait.ge [sflag:s29], $0x8000  }
0x5a: {  	[sflag:s29] =	ssyncset.done $0x0  }
0x5b: {  	[sflag:s29] =	ssyncadd.s32 $0xFFFF8000  }
0x5c: {  	_ =	swait.ge [sflag:s29], $0x8000  }
0x5d: {  	[sflag:s29] =	ssyncset.done $0x0  }
0x5e: {  	[sflag:s29] =	ssyncadd.s32 $0xFFFF8000  }
0x5f: {  	_ =	swait.ge [sflag:s29], $0x8000  }
0x60: {  	[sflag:s29] =	ssyncset.done $0x0  }
0x61: {  	[sflag:s29] =	ssyncadd.s32 $0xFFFF8000  }
0x62: {  	_ =	swait.ge [sflag:s29], $0x8000  }
0x63: {  	[sflag:s29] =	ssyncset.done $0x0  }
0x64: {  	[sflag:s29] =	ssyncadd.s32 $0xFFFF8000  }
0x65: {  	_ =	swait.ge [sflag:s29], $0x8000  }
0x66: {  	[sflag:s29] =	ssyncset.done $0x0  }
0x67: {  	[sflag:s29] =	ssyncadd.s32 $0xFFFF8000  }
0x68: {  	_ =	swait.ge [sflag:s29], $0x8000  }
0x69: {  	s30 =	ssub.s32 $0x2, s30;
	[sflag:s29] =	ssyncset.done $0x0  }
0x6a: {  	s31 =	sshrl.u32 s30, $0x1;
	[sflag:s29] =	ssyncadd.s32 $0xFFFF8000  }
0x6b: {  	s30 =	ssub.s32 s30, s31;
	_ =	swait.ge [sflag:s29], $0x8000  }
0x6c: {  	s30 =	smax.u32 s30, $0x1;
	[sflag:s29] =	ssyncset.done $0x0  }
0x6d: {  	p0 =	sne.s32 s30, $0x1;
	[sflag:s29] =	ssyncadd.s32 $0xFFFF8000  }
.Ltmp0:
0x6e: {  	_ =	swait.ge [sflag:s29], $0x8000;
	(pc) =	sbr.rel @!p0 .LBB2_2-.Ltmp0, $4  }
0x6f: {  	[sflag:s29] =	ssyncset.done $0x0  }
0x70: {  	[sflag:s29] =	ssyncadd.s32 $0xFFFF8000  }
0x71: {  	_ =	swait.ge [sflag:s29], $0x8000  }
0x72: {  	s30 =	sadd.s32 $0xFFFFFFFF, s30;
	[sflag:s29] =	ssyncset.done $0x0  }
.LBB2_1:
0x73: {  	p0 =	sne.s32 s30, $0x1;
	s30 =	sadd.s32 $0xFFFFFFFF, s30;
	[sflag:s29] =	ssyncadd.s32 $0xFFFF8000  }
0x74: {  	[tilespmem:s2], [sflag:$0x2] =	stream.linear.gather [hbm4b:s1+s2], $0x1000, $0x38;
	[tilespmem:$0x8000] =	vst v63  }
0x75: {  	_ =	swait.ge [sflag:s3], $0x1000  }
0x76: {  	[sflag:s3] =	ssyncset.done $0x0  }
0x77: {  	[sflag:s3] =	ssyncadd.s32 $0xFFFFF000  }
0x78: {  	[tilespmem:s4], [sflag:$0x2] =	stream.linear.gather [hbm4b:s1+s2], $0x1000, $0x38;
	[tilespmem:$0x8000] =	vst v63  }
0x79: {  	_ =	swait.ge [sflag:s3], $0x1000  }
0x7a: {  	[sflag:s3] =	ssyncset.done $0x0  }
0x7b: {  	[sflag:s3] =	ssyncadd.s32 $0xFFFFF000  }
0x7c: {  	[tilespmem:s5], [sflag:$0x2] =	stream.linear.gather [hbm4b:s1+s2], $0x1000, $0x38;
	[tilespmem:$0x8000] =	vst v63  }
0x7d: {  	_ =	swait.ge [sflag:s3], $0x1000  }
0x7e: {  	[sflag:s3] =	ssyncset.done $0x0  }
0x7f: {  	[sflag:s3] =	ssyncadd.s32 $0xFFFFF000  }
0x80: {  	[tilespmem:s6], [sflag:$0x2] =	stream.linear.gather [hbm4b:s1+s2], $0x1000, $0x38;
	[tilespmem:$0x8000] =	vst v63  }
0x81: {  	_ =	swait.ge [sflag:s3], $0x1000  }
0x82: {  	[sflag:s3] =	ssyncset.done $0x0  }
0x83: {  	[sflag:s3] =	ssyncadd.s32 $0xFFFFF000  }
0x84: {  	[tilespmem:s7], [sflag:$0x2] =	stream.linear.gather [hbm4b:s1+s2], $0x1000, $0x38;
	[tilespmem:$0x8000] =	vst v63  }
0x85: {  	_ =	swait.ge [sflag:s3], $0x1000  }
0x86: {  	[sflag:s3] =	ssyncset.done $0x0  }
0x87: {  	[sflag:s3] =	ssyncadd.s32 $0xFFFFF000  }
0x88: {  	[tilespmem:s8], [sflag:$0x2] =	stream.linear.gather [hbm4b:s1+s2], $0x1000, $0x38;
	[tilespmem:$0x8000] =	vst v63  }
0x89: {  	_ =	swait.ge [sflag:s3], $0x1000  }
0x8a: {  	[sflag:s3] =	ssyncset.done $0x0  }
0x8b: {  	[sflag:s3] =	ssyncadd.s32 $0xFFFFF000  }
0x8c: {  	[tilespmem:s10], [sflag:$0x2] =	stream.linear.gather [hbm4b:s1+s2], $0x1000, $0x38;
	[tilespmem:$0x8000] =	vst v63  }
0x8d: {  	_ =	swait.ge [sflag:s3], $0x1000  }
0x8e: {  	[sflag:s3] =	ssyncset.done $0x0  }
0x8f: {  	[sflag:s3] =	ssyncadd.s32 $0xFFFFF000  }
0x90: {  	[tilespmem:s11], [sflag:$0x2] =	stream.linear.gather [hbm4b:s1+s2], $0x1000, $0x38;
	[tilespmem:$0x8000] =	vst v63  }
0x91: {  	_ =	swait.ge [sflag:s3], $0x1000  }
0x92: {  	[sflag:s3] =	ssyncset.done $0x0  }
0x93: {  	[sflag:s3] =	ssyncadd.s32 $0xFFFFF000  }
0x94: {  	[hbm4b:s12+s2] =	stream.linear.scatter [tilespmem:s2], [sflag:$0x1], $0x8000, $0x38;
	[tilespmem:$0x8000] =	vst v63  }
0x95: {  	_ = 	snop  }
0x96: {  	[hbm4b:s13+s2] =	stream.linear.scatter [tilespmem:s2], [sflag:$0x1], $0x8000, $0x38;
	[tilespmem:$0x8000] =	vst v63  }
0x97: {  	_ = 	snop  }
0x98: {  	[hbm4b:s14+s2] =	stream.linear.scatter [tilespmem:s2], [sflag:$0x1], $0x8000, $0x38;
	[tilespmem:$0x8000] =	vst v63  }
0x99: {  	_ = 	snop  }
0x9a: {  	[hbm4b:s15+s2] =	stream.linear.scatter [tilespmem:s2], [sflag:$0x1], $0x8000, $0x38;
	[tilespmem:$0x8000] =	vst v63  }
0x9b: {  	_ = 	snop  }
0x9c: {  	[hbm4b:s16+s2] =	stream.linear.scatter [tilespmem:s2], [sflag:$0x1], $0x8000, $0x38;
	[tilespmem:$0x8000] =	vst v63  }
0x9d: {  	_ = 	snop  }
0x9e: {  	[hbm4b:s17+s2] =	stream.linear.scatter [tilespmem:s2], [sflag:$0x1], $0x8000, $0x38;
	[tilespmem:$0x8000] =	vst v63  }
0x9f: {  	_ = 	snop  }
0xa0: {  	[hbm4b:s18+s2] =	stream.linear.scatter [tilespmem:s2], [sflag:$0x1], $0x8000, $0x38;
	[tilespmem:$0x8000] =	vst v63  }
0xa1: {  	_ = 	snop  }
0xa2: {  	[hbm4b:s19+s2] =	stream.linear.scatter [tilespmem:s2], [sflag:$0x1], $0x8000, $0x38;
	[tilespmem:$0x8000] =	vst v63  }
0xa3: {  	_ = 	snop  }
0xa4: {  	[hbm4b:s20+s2] =	stream.linear.scatter [tilespmem:s2], [sflag:$0x1], $0x8000, $0x38;
	[tilespmem:$0x8000] =	vst v63  }
0xa5: {  	_ = 	snop  }
0xa6: {  	[hbm4b:s21+s2] =	stream.linear.scatter [tilespmem:s2], [sflag:$0x1], $0x8000, $0x38;
	[tilespmem:$0x8000] =	vst v63  }
0xa7: {  	_ = 	snop  }
0xa8: {  	[hbm4b:s22+s2] =	stream.linear.scatter [tilespmem:s2], [sflag:$0x1], $0x8000, $0x38;
	[tilespmem:$0x8000] =	vst v63  }
0xa9: {  	_ = 	snop  }
0xaa: {  	[hbm4b:s23+s2] =	stream.linear.scatter [tilespmem:s2], [sflag:$0x1], $0x8000, $0x38;
	[tilespmem:$0x8000] =	vst v63  }
0xab: {  	_ = 	snop  }
0xac: {  	[hbm4b:s24+s2] =	stream.linear.scatter [tilespmem:s2], [sflag:$0x1], $0x8000, $0x38;
	[tilespmem:$0x8000] =	vst v63  }
0xad: {  	_ = 	snop  }
0xae: {  	[hbm4b:s25+s2] =	stream.linear.scatter [tilespmem:s2], [sflag:$0x1], $0x8000, $0x38;
	[tilespmem:$0x8000] =	vst v63  }
0xaf: {  	_ = 	snop  }
0xb0: {  	[hbm4b:s26+s2] =	stream.linear.scatter [tilespmem:s2], [sflag:$0x1], $0x8000, $0x38;
	[tilespmem:$0x8000] =	vst v63  }
0xb1: {  	_ = 	snop  }
0xb2: {  	[hbm4b:s28+s2] =	stream.linear.scatter [tilespmem:s2], [sflag:$0x1], $0x8000, $0x38;
	[tilespmem:$0x8000] =	vst v63  }
0xb3: {  	_ =	swait.ge [sflag:s29], $0x8000  }
0xb4: {  	[sflag:s29] =	ssyncset.done $0x0  }
0xb5: {  	[sflag:s29] =	ssyncadd.s32 $0xFFFF8000  }
0xb6: {  	_ =	swait.ge [sflag:s29], $0x8000  }
0xb7: {  	[sflag:s29] =	ssyncset.done $0x0  }
0xb8: {  	[sflag:s29] =	ssyncadd.s32 $0xFFFF8000  }
0xb9: {  	_ =	swait.ge [sflag:s29], $0x8000  }
0xba: {  	[sflag:s29] =	ssyncset.done $0x0  }
0xbb: {  	[sflag:s29] =	ssyncadd.s32 $0xFFFF8000  }
0xbc: {  	_ =	swait.ge [sflag:s29], $0x8000  }
0xbd: {  	[sflag:s29] =	ssyncset.done $0x0  }
0xbe: {  	[sflag:s29] =	ssyncadd.s32 $0xFFFF8000  }
0xbf: {  	_ =	swait.ge [sflag:s29], $0x8000  }
0xc0: {  	[sflag:s29] =	ssyncset.done $0x0  }
0xc1: {  	[sflag:s29] =	ssyncadd.s32 $0xFFFF8000  }
0xc2: {  	_ =	swait.ge [sflag:s29], $0x8000  }
0xc3: {  	[sflag:s29] =	ssyncset.done $0x0  }
0xc4: {  	[sflag:s29] =	ssyncadd.s32 $0xFFFF8000  }
0xc5: {  	_ =	swait.ge [sflag:s29], $0x8000  }
0xc6: {  	[sflag:s29] =	ssyncset.done $0x0  }
0xc7: {  	[sflag:s29] =	ssyncadd.s32 $0xFFFF8000  }
0xc8: {  	_ =	swait.ge [sflag:s29], $0x8000  }
0xc9: {  	[sflag:s29] =	ssyncset.done $0x0  }
0xca: {  	[sflag:s29] =	ssyncadd.s32 $0xFFFF8000  }
0xcb: {  	_ =	swait.ge [sflag:s29], $0x8000  }
0xcc: {  	[sflag:s29] =	ssyncset.done $0x0  }
0xcd: {  	[sflag:s29] =	ssyncadd.s32 $0xFFFF8000  }
0xce: {  	_ =	swait.ge [sflag:s29], $0x8000  }
0xcf: {  	[sflag:s29] =	ssyncset.done $0x0  }
0xd0: {  	[sflag:s29] =	ssyncadd.s32 $0xFFFF8000  }
0xd1: {  	_ =	swait.ge [sflag:s29], $0x8000  }
0xd2: {  	[sflag:s29] =	ssyncset.done $0x0  }
0xd3: {  	[sflag:s29] =	ssyncadd.s32 $0xFFFF8000  }
0xd4: {  	_ =	swait.ge [sflag:s29], $0x8000  }
0xd5: {  	[sflag:s29] =	ssyncset.done $0x0  }
0xd6: {  	[sflag:s29] =	ssyncadd.s32 $0xFFFF8000  }
0xd7: {  	_ =	swait.ge [sflag:s29], $0x8000  }
0xd8: {  	[sflag:s29] =	ssyncset.done $0x0  }
0xd9: {  	[sflag:s29] =	ssyncadd.s32 $0xFFFF8000  }
0xda: {  	_ =	swait.ge [sflag:s29], $0x8000  }
0xdb: {  	[sflag:s29] =	ssyncset.done $0x0  }
0xdc: {  	[sflag:s29] =	ssyncadd.s32 $0xFFFF8000  }
.Ltmp1:
0xdd: {  	_ =	swait.ge [sflag:s29], $0x8000;
	(pc) =	sbr.rel @p0 .LBB2_1-.Ltmp1, $4  }
0xde: {  	[sflag:s29] =	ssyncset.done $0x0  }
0xdf: {  	[sflag:s29] =	ssyncadd.s32 $0xFFFF8000  }
0xe0: {  	_ =	swait.ge [sflag:s29], $0x8000  }
0xe1: {  	[sflag:s29] =	ssyncset.done $0x0  }
.LBB2_2:
0xe2: {  	[sflag:s29] =	ssyncadd.s32 $0xFFFF8000  }
0xe3: {  	_ =	sfence.sel $0x180000  }
0xe4: {  	[bflag:$0x0] =	sbarrier.arrive $0xFFFF  }
0xe5: {  	p0 =	sne.s32 s9, $0x0;
	_ =	strace $0x90000047  }
0xe6: {  	s0 =	sadd.s32 @!p0 $0x100000, s0;
	[bflag:$0x2] =	sbarrier.arrive $0xFFFF  }
0xe7: {  	[sflag:s0] =	ssyncadd.tile.s32 @!p0 $0x1;
	_ =	shalt  }
.Lfunc_end2:
_tile_overlayer_lowered:
.L_overlay_start_2:
0xe8: {  	(tag) =	ssettag $0x2  }
0xe9: {  	s0 =	rddreg [dreg:$0x0];
	s2 =	stileid.u32  }
0xea: {  	s1 =	rddreg [dreg:$0x1];
	p0 =	sne.s32 s2, $0x0  }
0xeb: {  	s3 =	rddreg [dreg:$0x2];
	[bflag:$0x3] =	sbarrier.arrive $0xFFFF;
	s2 =	simm.s32 @!p0 $0x1C02  }
0xec: {  	[timem:s3], [sflag:s2] =	dma.local @!p0 [hbm:s0], s1  }
0xed: {  	s0 =	simm.s32 @!p0 $0x2  }
0xee: {  	_ =	swait.ge @!p0 [sflag:s0], s1  }
0xef: {  	s1 =	ssub.s32 @!p0 $0x0, s1;
	[sflag:s0] =	ssyncset.done @!p0 $0x0  }
0xf0: {  	[sflag:s0] =	ssyncadd.s32 @!p0 s1  }
0xf1: {  	[bflag:$0x3] =	sbarrier.arrive $0xFFFF  }
0xf2: {  	_ =	shalt  }

</sc_bundles>
